<compile_context>
chip_gen: v7x
topology: tpu7x:2x2x1
jax: 0.10.2.dev20260603
libtpu: 0.0.44.dev20260713+nightly
codegen_flags: <defaults>
</compile_context>

<pallas_src>
import functools

import jax
import jax.numpy as jnp
from jax import lax
from jax.experimental import pallas as pl
from jax.experimental.pallas import tpu as pltpu
from jax.experimental.pallas import tpu_sc as plsc

_NC = 2
_NS = 16
_NW = _NC * _NS
_CW = 16
_CH = 400
_HD = 64


def _dot_t(a, w):
    return lax.dot_general(a, w, (((1,), (1,)), ((), ())),
                           preferred_element_type=jnp.float32)


def _tc_pre(x, wl, wr, b):
    N, D = x.shape
    BLK = 1000
    def body(x_ref, wl_ref, wr_ref, b_ref, xl_ref, xr_ref):
        xb = x_ref[...]
        xl_ref[...] = _dot_t(xb, wl_ref[...])
        xr_ref[...] = _dot_t(xb, wr_ref[...]) + b_ref[...]
    return pl.pallas_call(
        body,
        grid=(N // BLK,),
        in_specs=[pl.BlockSpec((BLK, D), lambda i: (i, 0)),
                  pl.BlockSpec((D, D), lambda i: (0, 0)),
                  pl.BlockSpec((D, D), lambda i: (0, 0)),
                  pl.BlockSpec((1, D), lambda i: (0, 0))],
        out_specs=[pl.BlockSpec((BLK, D), lambda i: (i, 0)),
                   pl.BlockSpec((BLK, D), lambda i: (i, 0))],
        out_shape=[jax.ShapeDtypeStruct((N, D), jnp.float32),
                   jax.ShapeDtypeStruct((N, D), jnp.float32)],
    )(x, wl, wr, b.reshape(1, D))


def _tc_mid(p, c, xr, wl, wr, b):
    N, D = xr.shape
    BLK = 1000
    def body(p_ref, c_ref, xr_ref, wl_ref, wr_ref, b_ref,
             hl_ref, hr_ref):
        s = p_ref[0] + p_ref[1]
        cnt = c_ref[0, :, 0:1] + c_ref[1, :, 0:1]
        h = jnp.maximum(s / jnp.maximum(cnt, 1.0) + xr_ref[...], 0.0)
        hl_ref[...] = _dot_t(h, wl_ref[...])
        hr_ref[...] = _dot_t(h, wr_ref[...]) + b_ref[...]
    return pl.pallas_call(
        body,
        grid=(N // BLK,),
        in_specs=[pl.BlockSpec((_NC, BLK, D), lambda i: (0, i, 0)),
                  pl.BlockSpec((_NC, BLK, _CW), lambda i: (0, i, 0)),
                  pl.BlockSpec((BLK, D), lambda i: (i, 0)),
                  pl.BlockSpec((D, D), lambda i: (0, 0)),
                  pl.BlockSpec((D, D), lambda i: (0, 0)),
                  pl.BlockSpec((1, D), lambda i: (0, 0))],
        out_specs=[pl.BlockSpec((BLK, D), lambda i: (i, 0)),
                   pl.BlockSpec((BLK, D), lambda i: (i, 0))],
        out_shape=[jax.ShapeDtypeStruct((N, D), jnp.float32),
                   jax.ShapeDtypeStruct((N, D), jnp.float32)],
    )(p, c, xr, wl, wr, b.reshape(1, D))


def _tc_post(p, c, hr):
    N, D = hr.shape
    BLK = 1000
    def body(p_ref, c_ref, hr_ref, o_ref):
        s = p_ref[0] + p_ref[1]
        cnt = c_ref[0, :, 0:1] + c_ref[1, :, 0:1]
        o_ref[...] = s / jnp.maximum(cnt, 1.0) + hr_ref[...]
    return pl.pallas_call(
        body,
        grid=(N // BLK,),
        in_specs=[pl.BlockSpec((_NC, BLK, D), lambda i: (0, i, 0)),
                  pl.BlockSpec((_NC, BLK, _CW), lambda i: (0, i, 0)),
                  pl.BlockSpec((BLK, D), lambda i: (i, 0))],
        out_specs=pl.BlockSpec((BLK, D), lambda i: (i, 0)),
        out_shape=jax.ShapeDtypeStruct((N, D), jnp.float32),
    )(p, c, hr)


def _sc_agg(y2, src2_i, src2b_i, dst_i, zeros_nd):
    NP = zeros_nd.shape[0]
    _, NCH, CH = src2_i.shape
    RPT = NP // _NS
    mesh = plsc.VectorSubcoreMesh(core_axis_name="c", subcore_axis_name="s")
    NE = NCH if NCH % 2 == 0 else NCH - 1

    out_type = jax.ShapeDtypeStruct((_NC, NP, 2 * _HD), jnp.float32)
    scratch = [pltpu.VMEM((NCH, CH), jnp.int32),
               pltpu.VMEM((NCH, CH), jnp.int32),
               pltpu.VMEM((NCH, CH), jnp.int32),
               pltpu.VMEM((CH, _HD), jnp.float32),
               pltpu.VMEM((CH, _HD), jnp.float32),
               pltpu.SemaphoreType.DMA,
               pltpu.SemaphoreType.DMA,
               pltpu.VMEM_SHARED((NP, _HD), jnp.float32)]

    @functools.partial(pl.kernel, out_type=out_type, mesh=mesh,
                       scratch_types=scratch,
                       compiler_params=pltpu.CompilerParams(
                           use_tc_tiling_on_sc=False))
    def k(y_h, src_h, srcb_h, dst_h, znd_h, out_h,
          srcv0, srcv1, dstv, rows0, rows1, sem0, sem1, acc):
        cid = lax.axis_index("c")
        sid = lax.axis_index("s")
        wid = cid * _NS + sid
        r0 = sid * RPT
        rs = pl.ds(r0, RPT)
        pltpu.sync_copy(src_h.at[wid], srcv0)
        pltpu.sync_copy(srcb_h.at[wid], srcv1)
        pltpu.sync_copy(dst_h.at[wid], dstv)
        for half, srcv in ((0, srcv0), (1, srcv1)):
            pltpu.make_async_copy(y_h.at[srcv.at[0]], rows0, sem0).start()
            pltpu.make_async_copy(y_h.at[srcv.at[1]], rows1, sem1).start()
            pltpu.sync_copy(znd_h.at[rs], acc.at[rs])
            plsc.subcore_barrier()

            @pl.loop(0, NE, step=2)
            def _(j, srcv=srcv):
                pltpu.make_async_copy(y_h.at[srcv.at[j]], rows0, sem0).wait()
                pltpu.sync_copy(rows0, acc.at[dstv.at[j]], add=True)

                @pl.when(j + 2 < NCH)
                def _():
                    pltpu.make_async_copy(
                        y_h.at[srcv.at[j + 2]], rows0, sem0).start()

                pltpu.make_async_copy(
                    y_h.at[srcv.at[j + 1]], rows1, sem1).wait()
                pltpu.sync_copy(rows1, acc.at[dstv.at[j + 1]], add=True)

                @pl.when(j + 3 < NCH)
                def _():
                    pltpu.make_async_copy(
                        y_h.at[srcv.at[j + 3]], rows1, sem1).start()

            if NCH % 2:
                j = NCH - 1
                pltpu.make_async_copy(y_h.at[srcv.at[j]], rows0, sem0).wait()
                pltpu.sync_copy(rows0, acc.at[dstv.at[j]], add=True)

            plsc.subcore_barrier()
            pltpu.sync_copy(acc.at[rs],
                            out_h.at[cid, rs, pl.ds(half * _HD, _HD)])

    return k(y2, src2_i, src2b_i, dst_i, zeros_nd)


def _sc_count(dst_i, zeros_nc, ones_c):
    NP = zeros_nc.shape[0]
    _, NCH, CH = dst_i.shape
    RPT = NP // _NS
    mesh = plsc.VectorSubcoreMesh(core_axis_name="c", subcore_axis_name="s")

    @functools.partial(
        pl.kernel,
        out_type=jax.ShapeDtypeStruct((_NC, NP, _CW), jnp.float32),
        mesh=mesh,
        scratch_types=[pltpu.VMEM((NCH, CH), jnp.int32),
                       pltpu.VMEM((CH, _CW), jnp.float32),
                       pltpu.VMEM_SHARED((NP, _CW), jnp.float32)],
        compiler_params=pltpu.CompilerParams(use_tc_tiling_on_sc=False))
    def k(dst_h, znc_h, ones_h, outc_h, dstv, ones_v, accc):
        cid = lax.axis_index("c")
        sid = lax.axis_index("s")
        wid = cid * _NS + sid
        r0 = sid * RPT
        rs = pl.ds(r0, RPT)
        pltpu.sync_copy(dst_h.at[wid], dstv)
        pltpu.sync_copy(ones_h, ones_v)
        pltpu.sync_copy(znc_h.at[rs], accc.at[rs])
        plsc.subcore_barrier()

        @pl.loop(0, NCH)
        def _(j):
            pltpu.sync_copy(ones_v, accc.at[dstv.at[j]], add=True)

        plsc.subcore_barrier()
        pltpu.sync_copy(accc.at[rs], outc_h.at[cid, rs])

    return k(dst_i, zeros_nc, ones_c)


def kernel(x, edge_index, W1_l, b1_l, W1_r, W2_l, b2_l, W2_r):
    N, D = x.shape
    E = edge_index.shape[1]
    ei = edge_index.astype(jnp.int32)
    nch = E // (_NW * _CH)
    src2_i = (ei[0] * 2).reshape(_NW, nch, _CH)
    src2b_i = (ei[0] * 2 + 1).reshape(_NW, nch, _CH)
    dst_i = ei[1].reshape(_NW, nch, _CH)
    npad = -(-N // (8 * _NS)) * (8 * _NS)
    zeros_nd = jnp.zeros((npad, _HD), jnp.float32)
    zeros_nc = jnp.zeros((npad, _CW), jnp.float32)
    ones_c = jnp.ones((_CH, _CW), jnp.float32)

    c1 = _sc_count(dst_i, zeros_nc, ones_c)
    xl, xr = _tc_pre(x, W1_l, W1_r, b1_l)
    p1 = _sc_agg(xl.reshape(2 * N, _HD), src2_i, src2b_i, dst_i, zeros_nd)
    hl, hr = _tc_mid(p1, c1, xr, W2_l, W2_r, b2_l)
    p2 = _sc_agg(hl.reshape(2 * N, _HD), src2_i, src2b_i, dst_i, zeros_nd)
    return _tc_post(p2, c1, hr)

# --- scband reference (transcript-rebuilt; emitter-appended) ---
"""Pipeline reference for scband-homogeneous-gnn-89249420410962 (READ-ONLY COPY).

The authoritative reference and input builder live on the scoring server;
editing this copy changes nothing except your own understanding.
"""

import jax, jax.numpy as jnp
import numpy as np

N_NODES = 10000
N_EDGES = 320000
D = 128


def setup_inputs(seed: int = 0) -> dict:
    key = jax.random.key(seed)
    ks = jax.random.split(key, 10)
    scale = 1.0 / np.sqrt(D)
    x = jax.random.normal(ks[0], (N_NODES, D), dtype=jnp.float32)
    edge_index = jax.random.randint(ks[1], (2, N_EDGES), 0, N_NODES, dtype=jnp.int64)
    W1_l = jax.random.normal(ks[2], (D, D), dtype=jnp.float32) * scale
    b1_l = jnp.zeros((D,), dtype=jnp.float32)
    W1_r = jax.random.normal(ks[3], (D, D), dtype=jnp.float32) * scale
    W2_l = jax.random.normal(ks[4], (D, D), dtype=jnp.float32) * scale
    b2_l = jnp.zeros((D,), dtype=jnp.float32)
    W2_r = jax.random.normal(ks[5], (D, D), dtype=jnp.float32) * scale
    return {"x": x, "edge_index": edge_index, "W1_l": W1_l, "b1_l": b1_l,
            "W1_r": W1_r, "W2_l": W2_l, "b2_l": b2_l, "W2_r": W2_r}


def _sage_conv(x, src, dst, W_l, b_l, W_r):
    # PyG SAGEConv: mean aggregation of neighbor messages, plus root transform
    n = x.shape[0]
    msg = x[src]  # gather source node features per edge
    summed = jax.ops.segment_sum(msg, dst, num_segments=n)
    count = jax.ops.segment_sum(jnp.ones((src.shape[0],), dtype=x.dtype), dst, num_segments=n)
    mean = summed / jnp.clip(count, 1.0, None)[:, None]
    return mean @ W_l.T + b_l + x @ W_r.T


def reference(x, edge_index, W1_l, b1_l, W1_r, W2_l, b2_l, W2_r):
    src = edge_index[0]
    dst = edge_index[1]
    h = _sage_conv(x, src, dst, W1_l, b1_l, W1_r)
    h = jax.nn.relu(h)
    # dropout is identity in eval mode (training=False)
    out = _sage_conv(h, src, dst, W2_l, b2_l, W2_r)
    return out

if __name__ == "__main__":
    import jax
    _d = setup_inputs()
    print(jax.jit(kernel)(*tuple(_d.values())))

</pallas_src>

<mosaic_0001>
#map = affine_map<(d0, d1) -> (0, 0)>
#map1 = affine_map<(d0, d1) -> (0, 0, 0)>
module attributes {stable_mosaic.version = 14 : i64} {
  func.func @k(%arg0: i32, %arg1: i32, %arg2: memref<20000x64xf32, #tpu.memory_space<hbm>>, %arg3: memref<32x25x400xi32, #tpu.memory_space<hbm>>, %arg4: memref<32x25x400xi32, #tpu.memory_space<hbm>>, %arg5: memref<32x25x400xi32, #tpu.memory_space<hbm>>, %arg6: memref<10112x64xf32, #tpu.memory_space<hbm>>, %arg7: memref<2x10112x128xf32, #tpu.memory_space<hbm>>, %arg8: memref<25x400xi32, #tpu.memory_space<vmem>>, %arg9: memref<25x400xi32, #tpu.memory_space<vmem>>, %arg10: memref<25x400xi32, #tpu.memory_space<vmem>>, %arg11: memref<400x64xf32, #tpu.memory_space<vmem>>, %arg12: memref<400x64xf32, #tpu.memory_space<vmem>>, %arg13: memref<!tpu.dma_semaphore, #tpu.memory_space<semaphore_mem>>, %arg14: memref<!tpu.dma_semaphore, #tpu.memory_space<semaphore_mem>>, %arg15: memref<10112x64xf32, #tpu.memory_space<vmem_shared>>) attributes {dimension_semantics = [#tpu.dimension_semantics<core_parallel>, #tpu.dimension_semantics<subcore_parallel>], iteration_bounds = array<i64: 2, 16>, scalar_prefetch = 0 : i64, scratch_operands = 8 : i64, tpu.core_type = #tpu.core_type<sc_vector_subcore>, window_params = [{transform_indices = #map}, {transform_indices = #map1}, {transform_indices = #map1}, {transform_indices = #map1}, {transform_indices = #map}, {transform_indices = #map1}]} {
    %mul3A = arith.constant 16 : i32
    %mul3A_0 = arith.muli %arg0, %mul3A : i32
    %add3A = arith.addi %mul3A_0, %arg1 : i32
    %mul3A_1 = arith.constant 632 : i32
    %mul3A_2 = arith.muli %arg1, %mul3A_1 : i32
    "tpu.region"() ({
      %run_scoped3A_56 = tpu.sem_alloc : memref<!tpu.dma_semaphore, #tpu.memory_space<semaphore_mem>>
      %dma_start3A_57 = arith.constant 0 : i32
      %dma_start3A_58 = arith.constant 0 : i32
      %dma_start3A_59 = tpu.memref_slice %arg3[%add3A, %dma_start3A_57, %dma_start3A_58] : memref<32x25x400xi32, #tpu.memory_space<hbm>> -> memref<1x25x400xi32, #tpu.memory_space<hbm>>
      %dma_start3A_60 = tpu.memref_squeeze %dma_start3A_59 : memref<1x25x400xi32, #tpu.memory_space<hbm>> -> memref<25x400xi32, #tpu.memory_space<hbm>>
      %dma_start3A_61 = arith.constant 0 : i32
      %dma_start3A_62 = arith.constant 0 : i32
      %dma_start3A_63 = tpu.memref_slice %arg3[%add3A, %dma_start3A_61, %dma_start3A_62] : memref<32x25x400xi32, #tpu.memory_space<hbm>> -> memref<1x25x400xi32, #tpu.memory_space<hbm>>
      %dma_start3A_64 = tpu.memref_squeeze %dma_start3A_63 : memref<1x25x400xi32, #tpu.memory_space<hbm>> -> memref<25x400xi32, #tpu.memory_space<hbm>>
      tpu.enqueue_dma source(%dma_start3A_64 : memref<25x400xi32, #tpu.memory_space<hbm>>) target(%arg8 : memref<25x400xi32, #tpu.memory_space<vmem>>) target_semaphore(%run_scoped3A_56 : memref<!tpu.dma_semaphore, #tpu.memory_space<semaphore_mem>>)
      %dma_wait3A_65 = arith.constant 0 : i32
      %dma_wait3A_66 = arith.constant 0 : i32
      %dma_wait3A_67 = tpu.memref_slice %arg3[%add3A, %dma_wait3A_65, %dma_wait3A_66] : memref<32x25x400xi32, #tpu.memory_space<hbm>> -> memref<1x25x400xi32, #tpu.memory_space<hbm>>
      %dma_wait3A_68 = tpu.memref_squeeze %dma_wait3A_67 : memref<1x25x400xi32, #tpu.memory_space<hbm>> -> memref<25x400xi32, #tpu.memory_space<hbm>>
      %dma_wait3A_69 = arith.constant 0 : i32
      %dma_wait3A_70 = arith.constant 0 : i32
      %dma_wait3A_71 = tpu.memref_slice %arg3[%add3A, %dma_wait3A_69, %dma_wait3A_70] : memref<32x25x400xi32, #tpu.memory_space<hbm>> -> memref<1x25x400xi32, #tpu.memory_space<hbm>>
      %dma_wait3A_72 = tpu.memref_squeeze %dma_wait3A_71 : memref<1x25x400xi32, #tpu.memory_space<hbm>> -> memref<25x400xi32, #tpu.memory_space<hbm>>
      tpu.wait_dma2 semaphore(%run_scoped3A_56 : memref<!tpu.dma_semaphore, #tpu.memory_space<semaphore_mem>>) src(%dma_wait3A_72 : memref<25x400xi32, #tpu.memory_space<hbm>>) dst(%arg8 : memref<25x400xi32, #tpu.memory_space<vmem>>)
      tpu.yield
    }) : () -> ()
    "tpu.region"() ({
      %run_scoped3A_56 = tpu.sem_alloc : memref<!tpu.dma_semaphore, #tpu.memory_space<semaphore_mem>>
      %dma_start3A_57 = arith.constant 0 : i32
      %dma_start3A_58 = arith.constant 0 : i32
      %dma_start3A_59 = tpu.memref_slice %arg4[%add3A, %dma_start3A_57, %dma_start3A_58] : memref<32x25x400xi32, #tpu.memory_space<hbm>> -> memref<1x25x400xi32, #tpu.memory_space<hbm>>
      %dma_start3A_60 = tpu.memref_squeeze %dma_start3A_59 : memref<1x25x400xi32, #tpu.memory_space<hbm>> -> memref<25x400xi32, #tpu.memory_space<hbm>>
      %dma_start3A_61 = arith.constant 0 : i32
      %dma_start3A_62 = arith.constant 0 : i32
      %dma_start3A_63 = tpu.memref_slice %arg4[%add3A, %dma_start3A_61, %dma_start3A_62] : memref<32x25x400xi32, #tpu.memory_space<hbm>> -> memref<1x25x400xi32, #tpu.memory_space<hbm>>
      %dma_start3A_64 = tpu.memref_squeeze %dma_start3A_63 : memref<1x25x400xi32, #tpu.memory_space<hbm>> -> memref<25x400xi32, #tpu.memory_space<hbm>>
      tpu.enqueue_dma source(%dma_start3A_64 : memref<25x400xi32, #tpu.memory_space<hbm>>) target(%arg9 : memref<25x400xi32, #tpu.memory_space<vmem>>) target_semaphore(%run_scoped3A_56 : memref<!tpu.dma_semaphore, #tpu.memory_space<semaphore_mem>>)
      %dma_wait3A_65 = arith.constant 0 : i32
      %dma_wait3A_66 = arith.constant 0 : i32
      %dma_wait3A_67 = tpu.memref_slice %arg4[%add3A, %dma_wait3A_65, %dma_wait3A_66] : memref<32x25x400xi32, #tpu.memory_space<hbm>> -> memref<1x25x400xi32, #tpu.memory_space<hbm>>
      %dma_wait3A_68 = tpu.memref_squeeze %dma_wait3A_67 : memref<1x25x400xi32, #tpu.memory_space<hbm>> -> memref<25x400xi32, #tpu.memory_space<hbm>>
      %dma_wait3A_69 = arith.constant 0 : i32
      %dma_wait3A_70 = arith.constant 0 : i32
      %dma_wait3A_71 = tpu.memref_slice %arg4[%add3A, %dma_wait3A_69, %dma_wait3A_70] : memref<32x25x400xi32, #tpu.memory_space<hbm>> -> memref<1x25x400xi32, #tpu.memory_space<hbm>>
      %dma_wait3A_72 = tpu.memref_squeeze %dma_wait3A_71 : memref<1x25x400xi32, #tpu.memory_space<hbm>> -> memref<25x400xi32, #tpu.memory_space<hbm>>
      tpu.wait_dma2 semaphore(%run_scoped3A_56 : memref<!tpu.dma_semaphore, #tpu.memory_space<semaphore_mem>>) src(%dma_wait3A_72 : memref<25x400xi32, #tpu.memory_space<hbm>>) dst(%arg9 : memref<25x400xi32, #tpu.memory_space<vmem>>)
      tpu.yield
    }) : () -> ()
    "tpu.region"() ({
      %run_scoped3A_56 = tpu.sem_alloc : memref<!tpu.dma_semaphore, #tpu.memory_space<semaphore_mem>>
      %dma_start3A_57 = arith.constant 0 : i32
      %dma_start3A_58 = arith.constant 0 : i32
      %dma_start3A_59 = tpu.memref_slice %arg5[%add3A, %dma_start3A_57, %dma_start3A_58] : memref<32x25x400xi32, #tpu.memory_space<hbm>> -> memref<1x25x400xi32, #tpu.memory_space<hbm>>
      %dma_start3A_60 = tpu.memref_squeeze %dma_start3A_59 : memref<1x25x400xi32, #tpu.memory_space<hbm>> -> memref<25x400xi32, #tpu.memory_space<hbm>>
      %dma_start3A_61 = arith.constant 0 : i32
      %dma_start3A_62 = arith.constant 0 : i32
      %dma_start3A_63 = tpu.memref_slice %arg5[%add3A, %dma_start3A_61, %dma_start3A_62] : memref<32x25x400xi32, #tpu.memory_space<hbm>> -> memref<1x25x400xi32, #tpu.memory_space<hbm>>
      %dma_start3A_64 = tpu.memref_squeeze %dma_start3A_63 : memref<1x25x400xi32, #tpu.memory_space<hbm>> -> memref<25x400xi32, #tpu.memory_space<hbm>>
      tpu.enqueue_dma source(%dma_start3A_64 : memref<25x400xi32, #tpu.memory_space<hbm>>) target(%arg10 : memref<25x400xi32, #tpu.memory_space<vmem>>) target_semaphore(%run_scoped3A_56 : memref<!tpu.dma_semaphore, #tpu.memory_space<semaphore_mem>>)
      %dma_wait3A_65 = arith.constant 0 : i32
      %dma_wait3A_66 = arith.constant 0 : i32
      %dma_wait3A_67 = tpu.memref_slice %arg5[%add3A, %dma_wait3A_65, %dma_wait3A_66] : memref<32x25x400xi32, #tpu.memory_space<hbm>> -> memref<1x25x400xi32, #tpu.memory_space<hbm>>
      %dma_wait3A_68 = tpu.memref_squeeze %dma_wait3A_67 : memref<1x25x400xi32, #tpu.memory_space<hbm>> -> memref<25x400xi32, #tpu.memory_space<hbm>>
      %dma_wait3A_69 = arith.constant 0 : i32
      %dma_wait3A_70 = arith.constant 0 : i32
      %dma_wait3A_71 = tpu.memref_slice %arg5[%add3A, %dma_wait3A_69, %dma_wait3A_70] : memref<32x25x400xi32, #tpu.memory_space<hbm>> -> memref<1x25x400xi32, #tpu.memory_space<hbm>>
      %dma_wait3A_72 = tpu.memref_squeeze %dma_wait3A_71 : memref<1x25x400xi32, #tpu.memory_space<hbm>> -> memref<25x400xi32, #tpu.memory_space<hbm>>
      tpu.wait_dma2 semaphore(%run_scoped3A_56 : memref<!tpu.dma_semaphore, #tpu.memory_space<semaphore_mem>>) src(%dma_wait3A_72 : memref<25x400xi32, #tpu.memory_space<hbm>>) dst(%arg10 : memref<25x400xi32, #tpu.memory_space<vmem>>)
      tpu.yield
    }) : () -> ()
    %dma_start3A = arith.constant 0 : i32
    %dma_start3A_3 = arith.constant 0 : i32
    %dma_start3A_4 = tpu.memref_slice %arg8[%dma_start3A, %dma_start3A_3] : memref<25x400xi32, #tpu.memory_space<vmem>> -> memref<1x400xi32, #tpu.memory_space<vmem>>
    %dma_start3A_5 = tpu.memref_squeeze %dma_start3A_4 : memref<1x400xi32, #tpu.memory_space<vmem>> -> memref<400xi32, #tpu.memory_space<vmem>>
    %dma_start3A_6 = arith.constant 0 : i32
    %dma_start3A_7 = arith.constant 0 : i32
    %dma_start3A_8 = tpu.memref_slice %arg2[%dma_start3A_6, %dma_start3A_7] : memref<20000x64xf32, #tpu.memory_space<hbm>> -> memref<20000x64xf32, #tpu.memory_space<hbm>>
    tpu.enqueue_indirect_dma source(%dma_start3A_8 : memref<20000x64xf32, #tpu.memory_space<hbm>>) target(%arg11 : memref<400x64xf32, #tpu.memory_space<vmem>>) offsets(%dma_start3A_5 : memref<400xi32, #tpu.memory_space<vmem>>) semaphore(%arg13 : memref<!tpu.dma_semaphore, #tpu.memory_space<semaphore_mem>>)
    %dma_start3A_9 = arith.constant 1 : i32
    %dma_start3A_10 = arith.constant 0 : i32
    %dma_start3A_11 = tpu.memref_slice %arg8[%dma_start3A_9, %dma_start3A_10] : memref<25x400xi32, #tpu.memory_space<vmem>> -> memref<1x400xi32, #tpu.memory_space<vmem>>
    %dma_start3A_12 = tpu.memref_squeeze %dma_start3A_11 : memref<1x400xi32, #tpu.memory_space<vmem>> -> memref<400xi32, #tpu.memory_space<vmem>>
    %dma_start3A_13 = arith.constant 0 : i32
    %dma_start3A_14 = arith.constant 0 : i32
    %dma_start3A_15 = tpu.memref_slice %arg2[%dma_start3A_13, %dma_start3A_14] : memref<20000x64xf32, #tpu.memory_space<hbm>> -> memref<20000x64xf32, #tpu.memory_space<hbm>>
    tpu.enqueue_indirect_dma source(%dma_start3A_15 : memref<20000x64xf32, #tpu.memory_space<hbm>>) target(%arg12 : memref<400x64xf32, #tpu.memory_space<vmem>>) offsets(%dma_start3A_12 : memref<400xi32, #tpu.memory_space<vmem>>) semaphore(%arg14 : memref<!tpu.dma_semaphore, #tpu.memory_space<semaphore_mem>>)
    "tpu.region"() ({
      %run_scoped3A_56 = tpu.sem_alloc : memref<!tpu.dma_semaphore, #tpu.memory_space<semaphore_mem>>
      %dma_start3A_57 = arith.constant 0 : i32
      %dma_start3A_58 = tpu.memref_slice %arg15[%mul3A_2, %dma_start3A_57] : memref<10112x64xf32, #tpu.memory_space<vmem_shared>> -> memref<632x64xf32, #tpu.memory_space<vmem_shared>>
      %dma_start3A_59 = arith.constant 0 : i32
      %dma_start3A_60 = tpu.memref_slice %arg6[%mul3A_2, %dma_start3A_59] : memref<10112x64xf32, #tpu.memory_space<hbm>> -> memref<632x64xf32, #tpu.memory_space<hbm>>
      tpu.enqueue_dma source(%dma_start3A_60 : memref<632x64xf32, #tpu.memory_space<hbm>>) target(%dma_start3A_58 : memref<632x64xf32, #tpu.memory_space<vmem_shared>>) target_semaphore(%run_scoped3A_56 : memref<!tpu.dma_semaphore, #tpu.memory_space<semaphore_mem>>)
      %dma_wait3A_61 = arith.constant 0 : i32
      %dma_wait3A_62 = tpu.memref_slice %arg15[%mul3A_2, %dma_wait3A_61] : memref<10112x64xf32, #tpu.memory_space<vmem_shared>> -> memref<632x64xf32, #tpu.memory_space<vmem_shared>>
      %dma_wait3A_63 = arith.constant 0 : i32
      %dma_wait3A_64 = tpu.memref_slice %arg6[%mul3A_2, %dma_wait3A_63] : memref<10112x64xf32, #tpu.memory_space<hbm>> -> memref<632x64xf32, #tpu.memory_space<hbm>>
      tpu.wait_dma2 semaphore(%run_scoped3A_56 : memref<!tpu.dma_semaphore, #tpu.memory_space<semaphore_mem>>) src(%dma_wait3A_64 : memref<632x64xf32, #tpu.memory_space<hbm>>) dst(%dma_wait3A_62 : memref<632x64xf32, #tpu.memory_space<vmem_shared>>)
      tpu.yield
    }) : () -> ()
    %barrier3A = arith.constant 0 : index
    tpu.barrier barrier_id(%barrier3A)
    %scan3A = arith.constant 0 : i32
    %scan3A_16 = arith.constant 12 : i32
    %scan3A_17 = arith.addi %scan3A, %scan3A_16 : i32
    %scan3A_18 = arith.constant 1 : i32
    scf.for %scan3A_56 = %scan3A to %scan3A_17 step %scan3A_18  : i32 {
      %mul3A_57 = arith.constant 2 : i32
      %mul3A_58 = arith.muli %scan3A_56, %mul3A_57 : i32
      %add3A_59 = arith.constant 0 : i32
      %add3A_60 = arith.addi %add3A_59, %mul3A_58 : i32
      %dma_wait3A_61 = arith.constant 0 : i32
      %dma_wait3A_62 = tpu.memref_slice %arg8[%add3A_60, %dma_wait3A_61] : memref<25x400xi32, #tpu.memory_space<vmem>> -> memref<1x400xi32, #tpu.memory_space<vmem>>
      %dma_wait3A_63 = tpu.memref_squeeze %dma_wait3A_62 : memref<1x400xi32, #tpu.memory_space<vmem>> -> memref<400xi32, #tpu.memory_space<vmem>>
      %dma_wait3A_64 = arith.constant 0 : i32
      %dma_wait3A_65 = arith.constant 0 : i32
      %dma_wait3A_66 = tpu.memref_slice %arg2[%dma_wait3A_64, %dma_wait3A_65] : memref<20000x64xf32, #tpu.memory_space<hbm>> -> memref<20000x64xf32, #tpu.memory_space<hbm>>
      tpu.wait_indirect_dma semaphore(%arg13 : memref<!tpu.dma_semaphore, #tpu.memory_space<semaphore_mem>>) src(%dma_wait3A_66 : memref<20000x64xf32, #tpu.memory_space<hbm>>) dst(%arg11 : memref<400x64xf32, #tpu.memory_space<vmem>>)
      "tpu.region"() ({
        %run_scoped3A_88 = tpu.sem_alloc : memref<!tpu.dma_semaphore, #tpu.memory_space<semaphore_mem>>
        %dma_start3A_89 = arith.constant 0 : i32
        %dma_start3A_90 = tpu.memref_slice %arg10[%add3A_60, %dma_start3A_89] : memref<25x400xi32, #tpu.memory_space<vmem>> -> memref<1x400xi32, #tpu.memory_space<vmem>>
        %dma_start3A_91 = tpu.memref_squeeze %dma_start3A_90 : memref<1x400xi32, #tpu.memory_space<vmem>> -> memref<400xi32, #tpu.memory_space<vmem>>
        %dma_start3A_92 = arith.constant 0 : i32
        %dma_start3A_93 = arith.constant 0 : i32
        %dma_start3A_94 = tpu.memref_slice %arg15[%dma_start3A_92, %dma_start3A_93] : memref<10112x64xf32, #tpu.memory_space<vmem_shared>> -> memref<10112x64xf32, #tpu.memory_space<vmem_shared>>
        tpu.enqueue_indirect_dma source(%arg11 : memref<400x64xf32, #tpu.memory_space<vmem>>) target(%dma_start3A_94 : memref<10112x64xf32, #tpu.memory_space<vmem_shared>>) offsets(%dma_start3A_91 : memref<400xi32, #tpu.memory_space<vmem>>) semaphore(%run_scoped3A_88 : memref<!tpu.dma_semaphore, #tpu.memory_space<semaphore_mem>>) {add = true}
        %dma_wait3A_95 = arith.constant 0 : i32
        %dma_wait3A_96 = tpu.memref_slice %arg10[%add3A_60, %dma_wait3A_95] : memref<25x400xi32, #tpu.memory_space<vmem>> -> memref<1x400xi32, #tpu.memory_space<vmem>>
        %dma_wait3A_97 = tpu.memref_squeeze %dma_wait3A_96 : memref<1x400xi32, #tpu.memory_space<vmem>> -> memref<400xi32, #tpu.memory_space<vmem>>
        %dma_wait3A_98 = arith.constant 0 : i32
        %dma_wait3A_99 = arith.constant 0 : i32
        %dma_wait3A_100 = tpu.memref_slice %arg15[%dma_wait3A_98, %dma_wait3A_99] : memref<10112x64xf32, #tpu.memory_space<vmem_shared>> -> memref<10112x64xf32, #tpu.memory_space<vmem_shared>>
        tpu.wait_indirect_dma semaphore(%run_scoped3A_88 : memref<!tpu.dma_semaphore, #tpu.memory_space<semaphore_mem>>) src(%arg11 : memref<400x64xf32, #tpu.memory_space<vmem>>) dst(%dma_wait3A_100 : memref<10112x64xf32, #tpu.memory_space<vmem_shared>>)
        tpu.yield
      }) : () -> ()
      %add3A_67 = arith.constant 2 : i32
      %add3A_68 = arith.addi %add3A_60, %add3A_67 : i32
      %lt3A = arith.constant 25 : i32
      %lt3A_69 = arith.cmpi slt, %add3A_68, %lt3A : i32
      %convert_element_type3A = arith.extui %lt3A_69 : i1 to i32
      %cond3A = arith.constant 0 : i32
      %cond3A_70 = arith.cmpi ne, %convert_element_type3A, %cond3A : i32
      scf.if %cond3A_70 {
        %add3A_88 = arith.constant 2 : i32
        %add3A_89 = arith.addi %add3A_60, %add3A_88 : i32
        %dma_start3A_90 = arith.constant 0 : i32
        %dma_start3A_91 = tpu.memref_slice %arg8[%add3A_89, %dma_start3A_90] : memref<25x400xi32, #tpu.memory_space<vmem>> -> memref<1x400xi32, #tpu.memory_space<vmem>>
        %dma_start3A_92 = tpu.memref_squeeze %dma_start3A_91 : memref<1x400xi32, #tpu.memory_space<vmem>> -> memref<400xi32, #tpu.memory_space<vmem>>
        %dma_start3A_93 = arith.constant 0 : i32
        %dma_start3A_94 = arith.constant 0 : i32
        %dma_start3A_95 = tpu.memref_slice %arg2[%dma_start3A_93, %dma_start3A_94] : memref<20000x64xf32, #tpu.memory_space<hbm>> -> memref<20000x64xf32, #tpu.memory_space<hbm>>
        tpu.enqueue_indirect_dma source(%dma_start3A_95 : memref<20000x64xf32, #tpu.memory_space<hbm>>) target(%arg11 : memref<400x64xf32, #tpu.memory_space<vmem>>) offsets(%dma_start3A_92 : memref<400xi32, #tpu.memory_space<vmem>>) semaphore(%arg13 : memref<!tpu.dma_semaphore, #tpu.memory_space<semaphore_mem>>)
      } else {
      }
      %add3A_71 = arith.constant 1 : i32
      %add3A_72 = arith.addi %add3A_60, %add3A_71 : i32
      %dma_wait3A_73 = arith.constant 0 : i32
      %dma_wait3A_74 = tpu.memref_slice %arg8[%add3A_72, %dma_wait3A_73] : memref<25x400xi32, #tpu.memory_space<vmem>> -> memref<1x400xi32, #tpu.memory_space<vmem>>
      %dma_wait3A_75 = tpu.memref_squeeze %dma_wait3A_74 : memref<1x400xi32, #tpu.memory_space<vmem>> -> memref<400xi32, #tpu.memory_space<vmem>>
      %dma_wait3A_76 = arith.constant 0 : i32
      %dma_wait3A_77 = arith.constant 0 : i32
      %dma_wait3A_78 = tpu.memref_slice %arg2[%dma_wait3A_76, %dma_wait3A_77] : memref<20000x64xf32, #tpu.memory_space<hbm>> -> memref<20000x64xf32, #tpu.memory_space<hbm>>
      tpu.wait_indirect_dma semaphore(%arg14 : memref<!tpu.dma_semaphore, #tpu.memory_space<semaphore_mem>>) src(%dma_wait3A_78 : memref<20000x64xf32, #tpu.memory_space<hbm>>) dst(%arg12 : memref<400x64xf32, #tpu.memory_space<vmem>>)
      %add3A_79 = arith.constant 1 : i32
      %add3A_80 = arith.addi %add3A_60, %add3A_79 : i32
      "tpu.region"() ({
        %run_scoped3A_88 = tpu.sem_alloc : memref<!tpu.dma_semaphore, #tpu.memory_space<semaphore_mem>>
        %dma_start3A_89 = arith.constant 0 : i32
        %dma_start3A_90 = tpu.memref_slice %arg10[%add3A_80, %dma_start3A_89] : memref<25x400xi32, #tpu.memory_space<vmem>> -> memref<1x400xi32, #tpu.memory_space<vmem>>
        %dma_start3A_91 = tpu.memref_squeeze %dma_start3A_90 : memref<1x400xi32, #tpu.memory_space<vmem>> -> memref<400xi32, #tpu.memory_space<vmem>>
        %dma_start3A_92 = arith.constant 0 : i32
        %dma_start3A_93 = arith.constant 0 : i32
        %dma_start3A_94 = tpu.memref_slice %arg15[%dma_start3A_92, %dma_start3A_93] : memref<10112x64xf32, #tpu.memory_space<vmem_shared>> -> memref<10112x64xf32, #tpu.memory_space<vmem_shared>>
        tpu.enqueue_indirect_dma source(%arg12 : memref<400x64xf32, #tpu.memory_space<vmem>>) target(%dma_start3A_94 : memref<10112x64xf32, #tpu.memory_space<vmem_shared>>) offsets(%dma_start3A_91 : memref<400xi32, #tpu.memory_space<vmem>>) semaphore(%run_scoped3A_88 : memref<!tpu.dma_semaphore, #tpu.memory_space<semaphore_mem>>) {add = true}
        %dma_wait3A_95 = arith.constant 0 : i32
        %dma_wait3A_96 = tpu.memref_slice %arg10[%add3A_80, %dma_wait3A_95] : memref<25x400xi32, #tpu.memory_space<vmem>> -> memref<1x400xi32, #tpu.memory_space<vmem>>
        %dma_wait3A_97 = tpu.memref_squeeze %dma_wait3A_96 : memref<1x400xi32, #tpu.memory_space<vmem>> -> memref<400xi32, #tpu.memory_space<vmem>>
        %dma_wait3A_98 = arith.constant 0 : i32
        %dma_wait3A_99 = arith.constant 0 : i32
        %dma_wait3A_100 = tpu.memref_slice %arg15[%dma_wait3A_98, %dma_wait3A_99] : memref<10112x64xf32, #tpu.memory_space<vmem_shared>> -> memref<10112x64xf32, #tpu.memory_space<vmem_shared>>
        tpu.wait_indirect_dma semaphore(%run_scoped3A_88 : memref<!tpu.dma_semaphore, #tpu.memory_space<semaphore_mem>>) src(%arg12 : memref<400x64xf32, #tpu.memory_space<vmem>>) dst(%dma_wait3A_100 : memref<10112x64xf32, #tpu.memory_space<vmem_shared>>)
        tpu.yield
      }) : () -> ()
      %add3A_81 = arith.constant 3 : i32
      %add3A_82 = arith.addi %add3A_60, %add3A_81 : i32
      %lt3A_83 = arith.constant 25 : i32
      %lt3A_84 = arith.cmpi slt, %add3A_82, %lt3A_83 : i32
      %convert_element_type3A_85 = arith.extui %lt3A_84 : i1 to i32
      %cond3A_86 = arith.constant 0 : i32
      %cond3A_87 = arith.cmpi ne, %convert_element_type3A_85, %cond3A_86 : i32
      scf.if %cond3A_87 {
        %add3A_88 = arith.constant 3 : i32
        %add3A_89 = arith.addi %add3A_60, %add3A_88 : i32
        %dma_start3A_90 = arith.constant 0 : i32
        %dma_start3A_91 = tpu.memref_slice %arg8[%add3A_89, %dma_start3A_90] : memref<25x400xi32, #tpu.memory_space<vmem>> -> memref<1x400xi32, #tpu.memory_space<vmem>>
        %dma_start3A_92 = tpu.memref_squeeze %dma_start3A_91 : memref<1x400xi32, #tpu.memory_space<vmem>> -> memref<400xi32, #tpu.memory_space<vmem>>
        %dma_start3A_93 = arith.constant 0 : i32
        %dma_start3A_94 = arith.constant 0 : i32
        %dma_start3A_95 = tpu.memref_slice %arg2[%dma_start3A_93, %dma_start3A_94] : memref<20000x64xf32, #tpu.memory_space<hbm>> -> memref<20000x64xf32, #tpu.memory_space<hbm>>
        tpu.enqueue_indirect_dma source(%dma_start3A_95 : memref<20000x64xf32, #tpu.memory_space<hbm>>) target(%arg12 : memref<400x64xf32, #tpu.memory_space<vmem>>) offsets(%dma_start3A_92 : memref<400xi32, #tpu.memory_space<vmem>>) semaphore(%arg14 : memref<!tpu.dma_semaphore, #tpu.memory_space<semaphore_mem>>)
      } else {
      }
    }
    %scan3A_19 = arith.constant 12 : i32
    %dma_wait3A = arith.constant 24 : i32
    %dma_wait3A_20 = arith.constant 0 : i32
    %dma_wait3A_21 = tpu.memref_slice %arg8[%dma_wait3A, %dma_wait3A_20] : memref<25x400xi32, #tpu.memory_space<vmem>> -> memref<1x400xi32, #tpu.memory_space<vmem>>
    %dma_wait3A_22 = tpu.memref_squeeze %dma_wait3A_21 : memref<1x400xi32, #tpu.memory_space<vmem>> -> memref<400xi32, #tpu.memory_space<vmem>>
    %dma_wait3A_23 = arith.constant 0 : i32
    %dma_wait3A_24 = arith.constant 0 : i32
    %dma_wait3A_25 = tpu.memref_slice %arg2[%dma_wait3A_23, %dma_wait3A_24] : memref<20000x64xf32, #tpu.memory_space<hbm>> -> memref<20000x64xf32, #tpu.memory_space<hbm>>
    tpu.wait_indirect_dma semaphore(%arg13 : memref<!tpu.dma_semaphore, #tpu.memory_space<semaphore_mem>>) src(%dma_wait3A_25 : memref<20000x64xf32, #tpu.memory_space<hbm>>) dst(%arg11 : memref<400x64xf32, #tpu.memory_space<vmem>>)
    %run_scoped3A = arith.constant 24 : i32
    "tpu.region"() ({
      %run_scoped3A_56 = tpu.sem_alloc : memref<!tpu.dma_semaphore, #tpu.memory_space<semaphore_mem>>
      %dma_start3A_57 = arith.constant 0 : i32
      %dma_start3A_58 = tpu.memref_slice %arg10[%run_scoped3A, %dma_start3A_57] : memref<25x400xi32, #tpu.memory_space<vmem>> -> memref<1x400xi32, #tpu.memory_space<vmem>>
      %dma_start3A_59 = tpu.memref_squeeze %dma_start3A_58 : memref<1x400xi32, #tpu.memory_space<vmem>> -> memref<400xi32, #tpu.memory_space<vmem>>
      %dma_start3A_60 = arith.constant 0 : i32
      %dma_start3A_61 = arith.constant 0 : i32
      %dma_start3A_62 = tpu.memref_slice %arg15[%dma_start3A_60, %dma_start3A_61] : memref<10112x64xf32, #tpu.memory_space<vmem_shared>> -> memref<10112x64xf32, #tpu.memory_space<vmem_shared>>
      tpu.enqueue_indirect_dma source(%arg11 : memref<400x64xf32, #tpu.memory_space<vmem>>) target(%dma_start3A_62 : memref<10112x64xf32, #tpu.memory_space<vmem_shared>>) offsets(%dma_start3A_59 : memref<400xi32, #tpu.memory_space<vmem>>) semaphore(%run_scoped3A_56 : memref<!tpu.dma_semaphore, #tpu.memory_space<semaphore_mem>>) {add = true}
      %dma_wait3A_63 = arith.constant 0 : i32
      %dma_wait3A_64 = tpu.memref_slice %arg10[%run_scoped3A, %dma_wait3A_63] : memref<25x400xi32, #tpu.memory_space<vmem>> -> memref<1x400xi32, #tpu.memory_space<vmem>>
      %dma_wait3A_65 = tpu.memref_squeeze %dma_wait3A_64 : memref<1x400xi32, #tpu.memory_space<vmem>> -> memref<400xi32, #tpu.memory_space<vmem>>
      %dma_wait3A_66 = arith.constant 0 : i32
      %dma_wait3A_67 = arith.constant 0 : i32
      %dma_wait3A_68 = tpu.memref_slice %arg15[%dma_wait3A_66, %dma_wait3A_67] : memref<10112x64xf32, #tpu.memory_space<vmem_shared>> -> memref<10112x64xf32, #tpu.memory_space<vmem_shared>>
      tpu.wait_indirect_dma semaphore(%run_scoped3A_56 : memref<!tpu.dma_semaphore, #tpu.memory_space<semaphore_mem>>) src(%arg11 : memref<400x64xf32, #tpu.memory_space<vmem>>) dst(%dma_wait3A_68 : memref<10112x64xf32, #tpu.memory_space<vmem_shared>>)
      tpu.yield
    }) : () -> ()
    %barrier3A_26 = arith.constant 0 : index
    tpu.barrier barrier_id(%barrier3A_26)
    "tpu.region"() ({
      %run_scoped3A_56 = tpu.sem_alloc : memref<!tpu.dma_semaphore, #tpu.memory_space<semaphore_mem>>
      %dma_start3A_57 = arith.constant 0 : i32
      %dma_start3A_58 = tpu.memref_slice %arg7[%arg0, %mul3A_2, %dma_start3A_57] : memref<2x10112x128xf32, #tpu.memory_space<hbm>> -> memref<1x632x64xf32, #tpu.memory_space<hbm>>
      %dma_start3A_59 = tpu.memref_squeeze %dma_start3A_58 : memref<1x632x64xf32, #tpu.memory_space<hbm>> -> memref<632x64xf32, #tpu.memory_space<hbm>>
      %dma_start3A_60 = arith.constant 0 : i32
      %dma_start3A_61 = tpu.memref_slice %arg15[%mul3A_2, %dma_start3A_60] : memref<10112x64xf32, #tpu.memory_space<vmem_shared>> -> memref<632x64xf32, #tpu.memory_space<vmem_shared>>
      tpu.enqueue_dma source(%dma_start3A_61 : memref<632x64xf32, #tpu.memory_space<vmem_shared>>) target(%dma_start3A_59 : memref<632x64xf32, #tpu.memory_space<hbm>>) target_semaphore(%run_scoped3A_56 : memref<!tpu.dma_semaphore, #tpu.memory_space<semaphore_mem>>)
      %dma_wait3A_62 = arith.constant 0 : i32
      %dma_wait3A_63 = tpu.memref_slice %arg7[%arg0, %mul3A_2, %dma_wait3A_62] : memref<2x10112x128xf32, #tpu.memory_space<hbm>> -> memref<1x632x64xf32, #tpu.memory_space<hbm>>
      %dma_wait3A_64 = tpu.memref_squeeze %dma_wait3A_63 : memref<1x632x64xf32, #tpu.memory_space<hbm>> -> memref<632x64xf32, #tpu.memory_space<hbm>>
      %dma_wait3A_65 = arith.constant 0 : i32
      %dma_wait3A_66 = tpu.memref_slice %arg15[%mul3A_2, %dma_wait3A_65] : memref<10112x64xf32, #tpu.memory_space<vmem_shared>> -> memref<632x64xf32, #tpu.memory_space<vmem_shared>>
      tpu.wait_dma2 semaphore(%run_scoped3A_56 : memref<!tpu.dma_semaphore, #tpu.memory_space<semaphore_mem>>) src(%dma_wait3A_66 : memref<632x64xf32, #tpu.memory_space<vmem_shared>>) dst(%dma_wait3A_64 : memref<632x64xf32, #tpu.memory_space<hbm>>)
      tpu.yield
    }) : () -> ()
    %dma_start3A_27 = arith.constant 0 : i32
    %dma_start3A_28 = arith.constant 0 : i32
    %dma_start3A_29 = tpu.memref_slice %arg9[%dma_start3A_27, %dma_start3A_28] : memref<25x400xi32, #tpu.memory_space<vmem>> -> memref<1x400xi32, #tpu.memory_space<vmem>>
    %dma_start3A_30 = tpu.memref_squeeze %dma_start3A_29 : memref<1x400xi32, #tpu.memory_space<vmem>> -> memref<400xi32, #tpu.memory_space<vmem>>
    %dma_start3A_31 = arith.constant 0 : i32
    %dma_start3A_32 = arith.constant 0 : i32
    %dma_start3A_33 = tpu.memref_slice %arg2[%dma_start3A_31, %dma_start3A_32] : memref<20000x64xf32, #tpu.memory_space<hbm>> -> memref<20000x64xf32, #tpu.memory_space<hbm>>
    tpu.enqueue_indirect_dma source(%dma_start3A_33 : memref<20000x64xf32, #tpu.memory_space<hbm>>) target(%arg11 : memref<400x64xf32, #tpu.memory_space<vmem>>) offsets(%dma_start3A_30 : memref<400xi32, #tpu.memory_space<vmem>>) semaphore(%arg13 : memref<!tpu.dma_semaphore, #tpu.memory_space<semaphore_mem>>)
    %dma_start3A_34 = arith.constant 1 : i32
    %dma_start3A_35 = arith.constant 0 : i32
    %dma_start3A_36 = tpu.memref_slice %arg9[%dma_start3A_34, %dma_start3A_35] : memref<25x400xi32, #tpu.memory_space<vmem>> -> memref<1x400xi32, #tpu.memory_space<vmem>>
    %dma_start3A_37 = tpu.memref_squeeze %dma_start3A_36 : memref<1x400xi32, #tpu.memory_space<vmem>> -> memref<400xi32, #tpu.memory_space<vmem>>
    %dma_start3A_38 = arith.constant 0 : i32
    %dma_start3A_39 = arith.constant 0 : i32
    %dma_start3A_40 = tpu.memref_slice %arg2[%dma_start3A_38, %dma_start3A_39] : memref<20000x64xf32, #tpu.memory_space<hbm>> -> memref<20000x64xf32, #tpu.memory_space<hbm>>
    tpu.enqueue_indirect_dma source(%dma_start3A_40 : memref<20000x64xf32, #tpu.memory_space<hbm>>) target(%arg12 : memref<400x64xf32, #tpu.memory_space<vmem>>) offsets(%dma_start3A_37 : memref<400xi32, #tpu.memory_space<vmem>>) semaphore(%arg14 : memref<!tpu.dma_semaphore, #tpu.memory_space<semaphore_mem>>)
    "tpu.region"() ({
      %run_scoped3A_56 = tpu.sem_alloc : memref<!tpu.dma_semaphore, #tpu.memory_space<semaphore_mem>>
      %dma_start3A_57 = arith.constant 0 : i32
      %dma_start3A_58 = tpu.memref_slice %arg15[%mul3A_2, %dma_start3A_57] : memref<10112x64xf32, #tpu.memory_space<vmem_shared>> -> memref<632x64xf32, #tpu.memory_space<vmem_shared>>
      %dma_start3A_59 = arith.constant 0 : i32
      %dma_start3A_60 = tpu.memref_slice %arg6[%mul3A_2, %dma_start3A_59] : memref<10112x64xf32, #tpu.memory_space<hbm>> -> memref<632x64xf32, #tpu.memory_space<hbm>>
      tpu.enqueue_dma source(%dma_start3A_60 : memref<632x64xf32, #tpu.memory_space<hbm>>) target(%dma_start3A_58 : memref<632x64xf32, #tpu.memory_space<vmem_shared>>) target_semaphore(%run_scoped3A_56 : memref<!tpu.dma_semaphore, #tpu.memory_space<semaphore_mem>>)
      %dma_wait3A_61 = arith.constant 0 : i32
      %dma_wait3A_62 = tpu.memref_slice %arg15[%mul3A_2, %dma_wait3A_61] : memref<10112x64xf32, #tpu.memory_space<vmem_shared>> -> memref<632x64xf32, #tpu.memory_space<vmem_shared>>
      %dma_wait3A_63 = arith.constant 0 : i32
      %dma_wait3A_64 = tpu.memref_slice %arg6[%mul3A_2, %dma_wait3A_63] : memref<10112x64xf32, #tpu.memory_space<hbm>> -> memref<632x64xf32, #tpu.memory_space<hbm>>
      tpu.wait_dma2 semaphore(%run_scoped3A_56 : memref<!tpu.dma_semaphore, #tpu.memory_space<semaphore_mem>>) src(%dma_wait3A_64 : memref<632x64xf32, #tpu.memory_space<hbm>>) dst(%dma_wait3A_62 : memref<632x64xf32, #tpu.memory_space<vmem_shared>>)
      tpu.yield
    }) : () -> ()
    %barrier3A_41 = arith.constant 0 : index
    tpu.barrier barrier_id(%barrier3A_41)
    %scan3A_42 = arith.constant 0 : i32
    %scan3A_43 = arith.constant 12 : i32
    %scan3A_44 = arith.addi %scan3A_42, %scan3A_43 : i32
    %scan3A_45 = arith.constant 1 : i32
    scf.for %scan3A_56 = %scan3A_42 to %scan3A_44 step %scan3A_45  : i32 {
      %mul3A_57 = arith.constant 2 : i32
      %mul3A_58 = arith.muli %scan3A_56, %mul3A_57 : i32
      %add3A_59 = arith.constant 0 : i32
      %add3A_60 = arith.addi %add3A_59, %mul3A_58 : i32
      %dma_wait3A_61 = arith.constant 0 : i32
      %dma_wait3A_62 = tpu.memref_slice %arg9[%add3A_60, %dma_wait3A_61] : memref<25x400xi32, #tpu.memory_space<vmem>> -> memref<1x400xi32, #tpu.memory_space<vmem>>
      %dma_wait3A_63 = tpu.memref_squeeze %dma_wait3A_62 : memref<1x400xi32, #tpu.memory_space<vmem>> -> memref<400xi32, #tpu.memory_space<vmem>>
      %dma_wait3A_64 = arith.constant 0 : i32
      %dma_wait3A_65 = arith.constant 0 : i32
      %dma_wait3A_66 = tpu.memref_slice %arg2[%dma_wait3A_64, %dma_wait3A_65] : memref<20000x64xf32, #tpu.memory_space<hbm>> -> memref<20000x64xf32, #tpu.memory_space<hbm>>
      tpu.wait_indirect_dma semaphore(%arg13 : memref<!tpu.dma_semaphore, #tpu.memory_space<semaphore_mem>>) src(%dma_wait3A_66 : memref<20000x64xf32, #tpu.memory_space<hbm>>) dst(%arg11 : memref<400x64xf32, #tpu.memory_space<vmem>>)
      "tpu.region"() ({
        %run_scoped3A_88 = tpu.sem_alloc : memref<!tpu.dma_semaphore, #tpu.memory_space<semaphore_mem>>
        %dma_start3A_89 = arith.constant 0 : i32
        %dma_start3A_90 = tpu.memref_slice %arg10[%add3A_60, %dma_start3A_89] : memref<25x400xi32, #tpu.memory_space<vmem>> -> memref<1x400xi32, #tpu.memory_space<vmem>>
        %dma_start3A_91 = tpu.memref_squeeze %dma_start3A_90 : memref<1x400xi32, #tpu.memory_space<vmem>> -> memref<400xi32, #tpu.memory_space<vmem>>
        %dma_start3A_92 = arith.constant 0 : i32
        %dma_start3A_93 = arith.constant 0 : i32
        %dma_start3A_94 = tpu.memref_slice %arg15[%dma_start3A_92, %dma_start3A_93] : memref<10112x64xf32, #tpu.memory_space<vmem_shared>> -> memref<10112x64xf32, #tpu.memory_space<vmem_shared>>
        tpu.enqueue_indirect_dma source(%arg11 : memref<400x64xf32, #tpu.memory_space<vmem>>) target(%dma_start3A_94 : memref<10112x64xf32, #tpu.memory_space<vmem_shared>>) offsets(%dma_start3A_91 : memref<400xi32, #tpu.memory_space<vmem>>) semaphore(%run_scoped3A_88 : memref<!tpu.dma_semaphore, #tpu.memory_space<semaphore_mem>>) {add = true}
        %dma_wait3A_95 = arith.constant 0 : i32
        %dma_wait3A_96 = tpu.memref_slice %arg10[%add3A_60, %dma_wait3A_95] : memref<25x400xi32, #tpu.memory_space<vmem>> -> memref<1x400xi32, #tpu.memory_space<vmem>>
        %dma_wait3A_97 = tpu.memref_squeeze %dma_wait3A_96 : memref<1x400xi32, #tpu.memory_space<vmem>> -> memref<400xi32, #tpu.memory_space<vmem>>
        %dma_wait3A_98 = arith.constant 0 : i32
        %dma_wait3A_99 = arith.constant 0 : i32
        %dma_wait3A_100 = tpu.memref_slice %arg15[%dma_wait3A_98, %dma_wait3A_99] : memref<10112x64xf32, #tpu.memory_space<vmem_shared>> -> memref<10112x64xf32, #tpu.memory_space<vmem_shared>>
        tpu.wait_indirect_dma semaphore(%run_scoped3A_88 : memref<!tpu.dma_semaphore, #tpu.memory_space<semaphore_mem>>) src(%arg11 : memref<400x64xf32, #tpu.memory_space<vmem>>) dst(%dma_wait3A_100 : memref<10112x64xf32, #tpu.memory_space<vmem_shared>>)
        tpu.yield
      }) : () -> ()
      %add3A_67 = arith.constant 2 : i32
      %add3A_68 = arith.addi %add3A_60, %add3A_67 : i32
      %lt3A = arith.constant 25 : i32
      %lt3A_69 = arith.cmpi slt, %add3A_68, %lt3A : i32
      %convert_element_type3A = arith.extui %lt3A_69 : i1 to i32
      %cond3A = arith.constant 0 : i32
      %cond3A_70 = arith.cmpi ne, %convert_element_type3A, %cond3A : i32
      scf.if %cond3A_70 {
        %add3A_88 = arith.constant 2 : i32
        %add3A_89 = arith.addi %add3A_60, %add3A_88 : i32
        %dma_start3A_90 = arith.constant 0 : i32
        %dma_start3A_91 = tpu.memref_slice %arg9[%add3A_89, %dma_start3A_90] : memref<25x400xi32, #tpu.memory_space<vmem>> -> memref<1x400xi32, #tpu.memory_space<vmem>>
        %dma_start3A_92 = tpu.memref_squeeze %dma_start3A_91 : memref<1x400xi32, #tpu.memory_space<vmem>> -> memref<400xi32, #tpu.memory_space<vmem>>
        %dma_start3A_93 = arith.constant 0 : i32
        %dma_start3A_94 = arith.constant 0 : i32
        %dma_start3A_95 = tpu.memref_slice %arg2[%dma_start3A_93, %dma_start3A_94] : memref<20000x64xf32, #tpu.memory_space<hbm>> -> memref<20000x64xf32, #tpu.memory_space<hbm>>
        tpu.enqueue_indirect_dma source(%dma_start3A_95 : memref<20000x64xf32, #tpu.memory_space<hbm>>) target(%arg11 : memref<400x64xf32, #tpu.memory_space<vmem>>) offsets(%dma_start3A_92 : memref<400xi32, #tpu.memory_space<vmem>>) semaphore(%arg13 : memref<!tpu.dma_semaphore, #tpu.memory_space<semaphore_mem>>)
      } else {
      }
      %add3A_71 = arith.constant 1 : i32
      %add3A_72 = arith.addi %add3A_60, %add3A_71 : i32
      %dma_wait3A_73 = arith.constant 0 : i32
      %dma_wait3A_74 = tpu.memref_slice %arg9[%add3A_72, %dma_wait3A_73] : memref<25x400xi32, #tpu.memory_space<vmem>> -> memref<1x400xi32, #tpu.memory_space<vmem>>
      %dma_wait3A_75 = tpu.memref_squeeze %dma_wait3A_74 : memref<1x400xi32, #tpu.memory_space<vmem>> -> memref<400xi32, #tpu.memory_space<vmem>>
      %dma_wait3A_76 = arith.constant 0 : i32
      %dma_wait3A_77 = arith.constant 0 : i32
      %dma_wait3A_78 = tpu.memref_slice %arg2[%dma_wait3A_76, %dma_wait3A_77] : memref<20000x64xf32, #tpu.memory_space<hbm>> -> memref<20000x64xf32, #tpu.memory_space<hbm>>
      tpu.wait_indirect_dma semaphore(%arg14 : memref<!tpu.dma_semaphore, #tpu.memory_space<semaphore_mem>>) src(%dma_wait3A_78 : memref<20000x64xf32, #tpu.memory_space<hbm>>) dst(%arg12 : memref<400x64xf32, #tpu.memory_space<vmem>>)
      %add3A_79 = arith.constant 1 : i32
      %add3A_80 = arith.addi %add3A_60, %add3A_79 : i32
      "tpu.region"() ({
        %run_scoped3A_88 = tpu.sem_alloc : memref<!tpu.dma_semaphore, #tpu.memory_space<semaphore_mem>>
        %dma_start3A_89 = arith.constant 0 : i32
        %dma_start3A_90 = tpu.memref_slice %arg10[%add3A_80, %dma_start3A_89] : memref<25x400xi32, #tpu.memory_space<vmem>> -> memref<1x400xi32, #tpu.memory_space<vmem>>
        %dma_start3A_91 = tpu.memref_squeeze %dma_start3A_90 : memref<1x400xi32, #tpu.memory_space<vmem>> -> memref<400xi32, #tpu.memory_space<vmem>>
        %dma_start3A_92 = arith.constant 0 : i32
        %dma_start3A_93 = arith.constant 0 : i32
        %dma_start3A_94 = tpu.memref_slice %arg15[%dma_start3A_92, %dma_start3A_93] : memref<10112x64xf32, #tpu.memory_space<vmem_shared>> -> memref<10112x64xf32, #tpu.memory_space<vmem_shared>>
        tpu.enqueue_indirect_dma source(%arg12 : memref<400x64xf32, #tpu.memory_space<vmem>>) target(%dma_start3A_94 : memref<10112x64xf32, #tpu.memory_space<vmem_shared>>) offsets(%dma_start3A_91 : memref<400xi32, #tpu.memory_space<vmem>>) semaphore(%run_scoped3A_88 : memref<!tpu.dma_semaphore, #tpu.memory_space<semaphore_mem>>) {add = true}
        %dma_wait3A_95 = arith.constant 0 : i32
        %dma_wait3A_96 = tpu.memref_slice %arg10[%add3A_80, %dma_wait3A_95] : memref<25x400xi32, #tpu.memory_space<vmem>> -> memref<1x400xi32, #tpu.memory_space<vmem>>
        %dma_wait3A_97 = tpu.memref_squeeze %dma_wait3A_96 : memref<1x400xi32, #tpu.memory_space<vmem>> -> memref<400xi32, #tpu.memory_space<vmem>>
        %dma_wait3A_98 = arith.constant 0 : i32
        %dma_wait3A_99 = arith.constant 0 : i32
        %dma_wait3A_100 = tpu.memref_slice %arg15[%dma_wait3A_98, %dma_wait3A_99] : memref<10112x64xf32, #tpu.memory_space<vmem_shared>> -> memref<10112x64xf32, #tpu.memory_space<vmem_shared>>
        tpu.wait_indirect_dma semaphore(%run_scoped3A_88 : memref<!tpu.dma_semaphore, #tpu.memory_space<semaphore_mem>>) src(%arg12 : memref<400x64xf32, #tpu.memory_space<vmem>>) dst(%dma_wait3A_100 : memref<10112x64xf32, #tpu.memory_space<vmem_shared>>)
        tpu.yield
      }) : () -> ()
      %add3A_81 = arith.constant 3 : i32
      %add3A_82 = arith.addi %add3A_60, %add3A_81 : i32
      %lt3A_83 = arith.constant 25 : i32
      %lt3A_84 = arith.cmpi slt, %add3A_82, %lt3A_83 : i32
      %convert_element_type3A_85 = arith.extui %lt3A_84 : i1 to i32
      %cond3A_86 = arith.constant 0 : i32
      %cond3A_87 = arith.cmpi ne, %convert_element_type3A_85, %cond3A_86 : i32
      scf.if %cond3A_87 {
        %add3A_88 = arith.constant 3 : i32
        %add3A_89 = arith.addi %add3A_60, %add3A_88 : i32
        %dma_start3A_90 = arith.constant 0 : i32
        %dma_start3A_91 = tpu.memref_slice %arg9[%add3A_89, %dma_start3A_90] : memref<25x400xi32, #tpu.memory_space<vmem>> -> memref<1x400xi32, #tpu.memory_space<vmem>>
        %dma_start3A_92 = tpu.memref_squeeze %dma_start3A_91 : memref<1x400xi32, #tpu.memory_space<vmem>> -> memref<400xi32, #tpu.memory_space<vmem>>
        %dma_start3A_93 = arith.constant 0 : i32
        %dma_start3A_94 = arith.constant 0 : i32
        %dma_start3A_95 = tpu.memref_slice %arg2[%dma_start3A_93, %dma_start3A_94] : memref<20000x64xf32, #tpu.memory_space<hbm>> -> memref<20000x64xf32, #tpu.memory_space<hbm>>
        tpu.enqueue_indirect_dma source(%dma_start3A_95 : memref<20000x64xf32, #tpu.memory_space<hbm>>) target(%arg12 : memref<400x64xf32, #tpu.memory_space<vmem>>) offsets(%dma_start3A_92 : memref<400xi32, #tpu.memory_space<vmem>>) semaphore(%arg14 : memref<!tpu.dma_semaphore, #tpu.memory_space<semaphore_mem>>)
      } else {
      }
    }
    %scan3A_46 = arith.constant 12 : i32
    %dma_wait3A_47 = arith.constant 24 : i32
    %dma_wait3A_48 = arith.constant 0 : i32
    %dma_wait3A_49 = tpu.memref_slice %arg9[%dma_wait3A_47, %dma_wait3A_48] : memref<25x400xi32, #tpu.memory_space<vmem>> -> memref<1x400xi32, #tpu.memory_space<vmem>>
    %dma_wait3A_50 = tpu.memref_squeeze %dma_wait3A_49 : memref<1x400xi32, #tpu.memory_space<vmem>> -> memref<400xi32, #tpu.memory_space<vmem>>
    %dma_wait3A_51 = arith.constant 0 : i32
    %dma_wait3A_52 = arith.constant 0 : i32
    %dma_wait3A_53 = tpu.memref_slice %arg2[%dma_wait3A_51, %dma_wait3A_52] : memref<20000x64xf32, #tpu.memory_space<hbm>> -> memref<20000x64xf32, #tpu.memory_space<hbm>>
    tpu.wait_indirect_dma semaphore(%arg13 : memref<!tpu.dma_semaphore, #tpu.memory_space<semaphore_mem>>) src(%dma_wait3A_53 : memref<20000x64xf32, #tpu.memory_space<hbm>>) dst(%arg11 : memref<400x64xf32, #tpu.memory_space<vmem>>)
    %run_scoped3A_54 = arith.constant 24 : i32
    "tpu.region"() ({
      %run_scoped3A_56 = tpu.sem_alloc : memref<!tpu.dma_semaphore, #tpu.memory_space<semaphore_mem>>
      %dma_start3A_57 = arith.constant 0 : i32
      %dma_start3A_58 = tpu.memref_slice %arg10[%run_scoped3A_54, %dma_start3A_57] : memref<25x400xi32, #tpu.memory_space<vmem>> -> memref<1x400xi32, #tpu.memory_space<vmem>>
      %dma_start3A_59 = tpu.memref_squeeze %dma_start3A_58 : memref<1x400xi32, #tpu.memory_space<vmem>> -> memref<400xi32, #tpu.memory_space<vmem>>
      %dma_start3A_60 = arith.constant 0 : i32
      %dma_start3A_61 = arith.constant 0 : i32
      %dma_start3A_62 = tpu.memref_slice %arg15[%dma_start3A_60, %dma_start3A_61] : memref<10112x64xf32, #tpu.memory_space<vmem_shared>> -> memref<10112x64xf32, #tpu.memory_space<vmem_shared>>
      tpu.enqueue_indirect_dma source(%arg11 : memref<400x64xf32, #tpu.memory_space<vmem>>) target(%dma_start3A_62 : memref<10112x64xf32, #tpu.memory_space<vmem_shared>>) offsets(%dma_start3A_59 : memref<400xi32, #tpu.memory_space<vmem>>) semaphore(%run_scoped3A_56 : memref<!tpu.dma_semaphore, #tpu.memory_space<semaphore_mem>>) {add = true}
      %dma_wait3A_63 = arith.constant 0 : i32
      %dma_wait3A_64 = tpu.memref_slice %arg10[%run_scoped3A_54, %dma_wait3A_63] : memref<25x400xi32, #tpu.memory_space<vmem>> -> memref<1x400xi32, #tpu.memory_space<vmem>>
      %dma_wait3A_65 = tpu.memref_squeeze %dma_wait3A_64 : memref<1x400xi32, #tpu.memory_space<vmem>> -> memref<400xi32, #tpu.memory_space<vmem>>
      %dma_wait3A_66 = arith.constant 0 : i32
      %dma_wait3A_67 = arith.constant 0 : i32
      %dma_wait3A_68 = tpu.memref_slice %arg15[%dma_wait3A_66, %dma_wait3A_67] : memref<10112x64xf32, #tpu.memory_space<vmem_shared>> -> memref<10112x64xf32, #tpu.memory_space<vmem_shared>>
      tpu.wait_indirect_dma semaphore(%run_scoped3A_56 : memref<!tpu.dma_semaphore, #tpu.memory_space<semaphore_mem>>) src(%arg11 : memref<400x64xf32, #tpu.memory_space<vmem>>) dst(%dma_wait3A_68 : memref<10112x64xf32, #tpu.memory_space<vmem_shared>>)
      tpu.yield
    }) : () -> ()
    %barrier3A_55 = arith.constant 0 : index
    tpu.barrier barrier_id(%barrier3A_55)
    "tpu.region"() ({
      %run_scoped3A_56 = tpu.sem_alloc : memref<!tpu.dma_semaphore, #tpu.memory_space<semaphore_mem>>
      %dma_start3A_57 = arith.constant 64 : i32
      %dma_start3A_58 = tpu.memref_slice %arg7[%arg0, %mul3A_2, %dma_start3A_57] : memref<2x10112x128xf32, #tpu.memory_space<hbm>> -> memref<1x632x64xf32, #tpu.memory_space<hbm>>
      %dma_start3A_59 = tpu.memref_squeeze %dma_start3A_58 : memref<1x632x64xf32, #tpu.memory_space<hbm>> -> memref<632x64xf32, #tpu.memory_space<hbm>>
      %dma_start3A_60 = arith.constant 0 : i32
      %dma_start3A_61 = tpu.memref_slice %arg15[%mul3A_2, %dma_start3A_60] : memref<10112x64xf32, #tpu.memory_space<vmem_shared>> -> memref<632x64xf32, #tpu.memory_space<vmem_shared>>
      tpu.enqueue_dma source(%dma_start3A_61 : memref<632x64xf32, #tpu.memory_space<vmem_shared>>) target(%dma_start3A_59 : memref<632x64xf32, #tpu.memory_space<hbm>>) target_semaphore(%run_scoped3A_56 : memref<!tpu.dma_semaphore, #tpu.memory_space<semaphore_mem>>)
      %dma_wait3A_62 = arith.constant 64 : i32
      %dma_wait3A_63 = tpu.memref_slice %arg7[%arg0, %mul3A_2, %dma_wait3A_62] : memref<2x10112x128xf32, #tpu.memory_space<hbm>> -> memref<1x632x64xf32, #tpu.memory_space<hbm>>
      %dma_wait3A_64 = tpu.memref_squeeze %dma_wait3A_63 : memref<1x632x64xf32, #tpu.memory_space<hbm>> -> memref<632x64xf32, #tpu.memory_space<hbm>>
      %dma_wait3A_65 = arith.constant 0 : i32
      %dma_wait3A_66 = tpu.memref_slice %arg15[%mul3A_2, %dma_wait3A_65] : memref<10112x64xf32, #tpu.memory_space<vmem_shared>> -> memref<632x64xf32, #tpu.memory_space<vmem_shared>>
      tpu.wait_dma2 semaphore(%run_scoped3A_56 : memref<!tpu.dma_semaphore, #tpu.memory_space<semaphore_mem>>) src(%dma_wait3A_66 : memref<632x64xf32, #tpu.memory_space<vmem_shared>>) dst(%dma_wait3A_64 : memref<632x64xf32, #tpu.memory_space<hbm>>)
      tpu.yield
    }) : () -> ()
    return
  }
}

#map = affine_map<(d0, d1) -> (0, 0, 0)>
#map1 = affine_map<(d0, d1) -> (0, 0)>
module attributes {stable_mosaic.version = 14 : i64} {
  func.func @k(%arg0: i32, %arg1: i32, %arg2: memref<32x25x400xi32, #tpu.memory_space<hbm>>, %arg3: memref<10112x16xf32, #tpu.memory_space<hbm>>, %arg4: memref<400x16xf32, #tpu.memory_space<hbm>>, %arg5: memref<2x10112x16xf32, #tpu.memory_space<hbm>>, %arg6: memref<25x400xi32, #tpu.memory_space<vmem>>, %arg7: memref<400x16xf32, #tpu.memory_space<vmem>>, %arg8: memref<10112x16xf32, #tpu.memory_space<vmem_shared>>) attributes {dimension_semantics = [#tpu.dimension_semantics<core_parallel>, #tpu.dimension_semantics<subcore_parallel>], iteration_bounds = array<i64: 2, 16>, scalar_prefetch = 0 : i64, scratch_operands = 3 : i64, tpu.core_type = #tpu.core_type<sc_vector_subcore>, window_params = [{transform_indices = #map}, {transform_indices = #map1}, {transform_indices = #map1}, {transform_indices = #map}]} {
    %mul3A = arith.constant 16 : i32
    %mul3A_0 = arith.muli %arg0, %mul3A : i32
    %add3A = arith.addi %mul3A_0, %arg1 : i32
    %mul3A_1 = arith.constant 632 : i32
    %mul3A_2 = arith.muli %arg1, %mul3A_1 : i32
    "tpu.region"() ({
      %run_scoped3A = tpu.sem_alloc : memref<!tpu.dma_semaphore, #tpu.memory_space<semaphore_mem>>
      %dma_start3A = arith.constant 0 : i32
      %dma_start3A_8 = arith.constant 0 : i32
      %dma_start3A_9 = tpu.memref_slice %arg2[%add3A, %dma_start3A, %dma_start3A_8] : memref<32x25x400xi32, #tpu.memory_space<hbm>> -> memref<1x25x400xi32, #tpu.memory_space<hbm>>
      %dma_start3A_10 = tpu.memref_squeeze %dma_start3A_9 : memref<1x25x400xi32, #tpu.memory_space<hbm>> -> memref<25x400xi32, #tpu.memory_space<hbm>>
      %dma_start3A_11 = arith.constant 0 : i32
      %dma_start3A_12 = arith.constant 0 : i32
      %dma_start3A_13 = tpu.memref_slice %arg2[%add3A, %dma_start3A_11, %dma_start3A_12] : memref<32x25x400xi32, #tpu.memory_space<hbm>> -> memref<1x25x400xi32, #tpu.memory_space<hbm>>
      %dma_start3A_14 = tpu.memref_squeeze %dma_start3A_13 : memref<1x25x400xi32, #tpu.memory_space<hbm>> -> memref<25x400xi32, #tpu.memory_space<hbm>>
      tpu.enqueue_dma source(%dma_start3A_14 : memref<25x400xi32, #tpu.memory_space<hbm>>) target(%arg6 : memref<25x400xi32, #tpu.memory_space<vmem>>) target_semaphore(%run_scoped3A : memref<!tpu.dma_semaphore, #tpu.memory_space<semaphore_mem>>)
      %dma_wait3A = arith.constant 0 : i32
      %dma_wait3A_15 = arith.constant 0 : i32
      %dma_wait3A_16 = tpu.memref_slice %arg2[%add3A, %dma_wait3A, %dma_wait3A_15] : memref<32x25x400xi32, #tpu.memory_space<hbm>> -> memref<1x25x400xi32, #tpu.memory_space<hbm>>
      %dma_wait3A_17 = tpu.memref_squeeze %dma_wait3A_16 : memref<1x25x400xi32, #tpu.memory_space<hbm>> -> memref<25x400xi32, #tpu.memory_space<hbm>>
      %dma_wait3A_18 = arith.constant 0 : i32
      %dma_wait3A_19 = arith.constant 0 : i32
      %dma_wait3A_20 = tpu.memref_slice %arg2[%add3A, %dma_wait3A_18, %dma_wait3A_19] : memref<32x25x400xi32, #tpu.memory_space<hbm>> -> memref<1x25x400xi32, #tpu.memory_space<hbm>>
      %dma_wait3A_21 = tpu.memref_squeeze %dma_wait3A_20 : memref<1x25x400xi32, #tpu.memory_space<hbm>> -> memref<25x400xi32, #tpu.memory_space<hbm>>
      tpu.wait_dma2 semaphore(%run_scoped3A : memref<!tpu.dma_semaphore, #tpu.memory_space<semaphore_mem>>) src(%dma_wait3A_21 : memref<25x400xi32, #tpu.memory_space<hbm>>) dst(%arg6 : memref<25x400xi32, #tpu.memory_space<vmem>>)
      tpu.yield
    }) : () -> ()
    "tpu.region"() ({
      %run_scoped3A = tpu.sem_alloc : memref<!tpu.dma_semaphore, #tpu.memory_space<semaphore_mem>>
      tpu.enqueue_dma source(%arg4 : memref<400x16xf32, #tpu.memory_space<hbm>>) target(%arg7 : memref<400x16xf32, #tpu.memory_space<vmem>>) target_semaphore(%run_scoped3A : memref<!tpu.dma_semaphore, #tpu.memory_space<semaphore_mem>>)
      tpu.wait_dma2 semaphore(%run_scoped3A : memref<!tpu.dma_semaphore, #tpu.memory_space<semaphore_mem>>) src(%arg4 : memref<400x16xf32, #tpu.memory_space<hbm>>) dst(%arg7 : memref<400x16xf32, #tpu.memory_space<vmem>>)
      tpu.yield
    }) : () -> ()
    "tpu.region"() ({
      %run_scoped3A = tpu.sem_alloc : memref<!tpu.dma_semaphore, #tpu.memory_space<semaphore_mem>>
      %dma_start3A = arith.constant 0 : i32
      %dma_start3A_8 = tpu.memref_slice %arg8[%mul3A_2, %dma_start3A] : memref<10112x16xf32, #tpu.memory_space<vmem_shared>> -> memref<632x16xf32, #tpu.memory_space<vmem_shared>>
      %dma_start3A_9 = arith.constant 0 : i32
      %dma_start3A_10 = tpu.memref_slice %arg3[%mul3A_2, %dma_start3A_9] : memref<10112x16xf32, #tpu.memory_space<hbm>> -> memref<632x16xf32, #tpu.memory_space<hbm>>
      tpu.enqueue_dma source(%dma_start3A_10 : memref<632x16xf32, #tpu.memory_space<hbm>>) target(%dma_start3A_8 : memref<632x16xf32, #tpu.memory_space<vmem_shared>>) target_semaphore(%run_scoped3A : memref<!tpu.dma_semaphore, #tpu.memory_space<semaphore_mem>>)
      %dma_wait3A = arith.constant 0 : i32
      %dma_wait3A_11 = tpu.memref_slice %arg8[%mul3A_2, %dma_wait3A] : memref<10112x16xf32, #tpu.memory_space<vmem_shared>> -> memref<632x16xf32, #tpu.memory_space<vmem_shared>>
      %dma_wait3A_12 = arith.constant 0 : i32
      %dma_wait3A_13 = tpu.memref_slice %arg3[%mul3A_2, %dma_wait3A_12] : memref<10112x16xf32, #tpu.memory_space<hbm>> -> memref<632x16xf32, #tpu.memory_space<hbm>>
      tpu.wait_dma2 semaphore(%run_scoped3A : memref<!tpu.dma_semaphore, #tpu.memory_space<semaphore_mem>>) src(%dma_wait3A_13 : memref<632x16xf32, #tpu.memory_space<hbm>>) dst(%dma_wait3A_11 : memref<632x16xf32, #tpu.memory_space<vmem_shared>>)
      tpu.yield
    }) : () -> ()
    %barrier3A = arith.constant 0 : index
    tpu.barrier barrier_id(%barrier3A)
    %scan3A = arith.constant 0 : i32
    %scan3A_3 = arith.constant 25 : i32
    %scan3A_4 = arith.addi %scan3A, %scan3A_3 : i32
    %scan3A_5 = arith.constant 1 : i32
    scf.for %scan3A_8 = %scan3A to %scan3A_4 step %scan3A_5  : i32 {
      %mul3A_9 = arith.constant 1 : i32
      %mul3A_10 = arith.muli %scan3A_8, %mul3A_9 : i32
      %add3A_11 = arith.constant 0 : i32
      %add3A_12 = arith.addi %add3A_11, %mul3A_10 : i32
      "tpu.region"() ({
        %run_scoped3A = tpu.sem_alloc : memref<!tpu.dma_semaphore, #tpu.memory_space<semaphore_mem>>
        %dma_start3A = arith.constant 0 : i32
        %dma_start3A_13 = tpu.memref_slice %arg6[%add3A_12, %dma_start3A] : memref<25x400xi32, #tpu.memory_space<vmem>> -> memref<1x400xi32, #tpu.memory_space<vmem>>
        %dma_start3A_14 = tpu.memref_squeeze %dma_start3A_13 : memref<1x400xi32, #tpu.memory_space<vmem>> -> memref<400xi32, #tpu.memory_space<vmem>>
        %dma_start3A_15 = arith.constant 0 : i32
        %dma_start3A_16 = arith.constant 0 : i32
        %dma_start3A_17 = tpu.memref_slice %arg8[%dma_start3A_15, %dma_start3A_16] : memref<10112x16xf32, #tpu.memory_space<vmem_shared>> -> memref<10112x16xf32, #tpu.memory_space<vmem_shared>>
        tpu.enqueue_indirect_dma source(%arg7 : memref<400x16xf32, #tpu.memory_space<vmem>>) target(%dma_start3A_17 : memref<10112x16xf32, #tpu.memory_space<vmem_shared>>) offsets(%dma_start3A_14 : memref<400xi32, #tpu.memory_space<vmem>>) semaphore(%run_scoped3A : memref<!tpu.dma_semaphore, #tpu.memory_space<semaphore_mem>>) {add = true}
        %dma_wait3A = arith.constant 0 : i32
        %dma_wait3A_18 = tpu.memref_slice %arg6[%add3A_12, %dma_wait3A] : memref<25x400xi32, #tpu.memory_space<vmem>> -> memref<1x400xi32, #tpu.memory_space<vmem>>
        %dma_wait3A_19 = tpu.memref_squeeze %dma_wait3A_18 : memref<1x400xi32, #tpu.memory_space<vmem>> -> memref<400xi32, #tpu.memory_space<vmem>>
        %dma_wait3A_20 = arith.constant 0 : i32
        %dma_wait3A_21 = arith.constant 0 : i32
        %dma_wait3A_22 = tpu.memref_slice %arg8[%dma_wait3A_20, %dma_wait3A_21] : memref<10112x16xf32, #tpu.memory_space<vmem_shared>> -> memref<10112x16xf32, #tpu.memory_space<vmem_shared>>
        tpu.wait_indirect_dma semaphore(%run_scoped3A : memref<!tpu.dma_semaphore, #tpu.memory_space<semaphore_mem>>) src(%arg7 : memref<400x16xf32, #tpu.memory_space<vmem>>) dst(%dma_wait3A_22 : memref<10112x16xf32, #tpu.memory_space<vmem_shared>>)
        tpu.yield
      }) : () -> ()
    }
    %scan3A_6 = arith.constant 25 : i32
    %barrier3A_7 = arith.constant 0 : index
    tpu.barrier barrier_id(%barrier3A_7)
    "tpu.region"() ({
      %run_scoped3A = tpu.sem_alloc : memref<!tpu.dma_semaphore, #tpu.memory_space<semaphore_mem>>
      %dma_start3A = arith.constant 0 : i32
      %dma_start3A_8 = tpu.memref_slice %arg5[%arg0, %mul3A_2, %dma_start3A] : memref<2x10112x16xf32, #tpu.memory_space<hbm>> -> memref<1x632x16xf32, #tpu.memory_space<hbm>>
      %dma_start3A_9 = tpu.memref_squeeze %dma_start3A_8 : memref<1x632x16xf32, #tpu.memory_space<hbm>> -> memref<632x16xf32, #tpu.memory_space<hbm>>
      %dma_start3A_10 = arith.constant 0 : i32
      %dma_start3A_11 = tpu.memref_slice %arg8[%mul3A_2, %dma_start3A_10] : memref<10112x16xf32, #tpu.memory_space<vmem_shared>> -> memref<632x16xf32, #tpu.memory_space<vmem_shared>>
      tpu.enqueue_dma source(%dma_start3A_11 : memref<632x16xf32, #tpu.memory_space<vmem_shared>>) target(%dma_start3A_9 : memref<632x16xf32, #tpu.memory_space<hbm>>) target_semaphore(%run_scoped3A : memref<!tpu.dma_semaphore, #tpu.memory_space<semaphore_mem>>)
      %dma_wait3A = arith.constant 0 : i32
      %dma_wait3A_12 = tpu.memref_slice %arg5[%arg0, %mul3A_2, %dma_wait3A] : memref<2x10112x16xf32, #tpu.memory_space<hbm>> -> memref<1x632x16xf32, #tpu.memory_space<hbm>>
      %dma_wait3A_13 = tpu.memref_squeeze %dma_wait3A_12 : memref<1x632x16xf32, #tpu.memory_space<hbm>> -> memref<632x16xf32, #tpu.memory_space<hbm>>
      %dma_wait3A_14 = arith.constant 0 : i32
      %dma_wait3A_15 = tpu.memref_slice %arg8[%mul3A_2, %dma_wait3A_14] : memref<10112x16xf32, #tpu.memory_space<vmem_shared>> -> memref<632x16xf32, #tpu.memory_space<vmem_shared>>
      tpu.wait_dma2 semaphore(%run_scoped3A : memref<!tpu.dma_semaphore, #tpu.memory_space<semaphore_mem>>) src(%dma_wait3A_15 : memref<632x16xf32, #tpu.memory_space<vmem_shared>>) dst(%dma_wait3A_13 : memref<632x16xf32, #tpu.memory_space<hbm>>)
      tpu.yield
    }) : () -> ()
    return
  }
}

#map = affine_map<(d0, d1) -> (0, 0)>
#map1 = affine_map<(d0, d1) -> (0, 0, 0)>
module attributes {stable_mosaic.version = 14 : i64} {
  func.func @k(%arg0: i32, %arg1: i32, %arg2: memref<20000x64xf32, #tpu.memory_space<hbm>>, %arg3: memref<32x25x400xi32, #tpu.memory_space<hbm>>, %arg4: memref<32x25x400xi32, #tpu.memory_space<hbm>>, %arg5: memref<32x25x400xi32, #tpu.memory_space<hbm>>, %arg6: memref<10112x64xf32, #tpu.memory_space<hbm>>, %arg7: memref<2x10112x128xf32, #tpu.memory_space<hbm>>, %arg8: memref<25x400xi32, #tpu.memory_space<vmem>>, %arg9: memref<25x400xi32, #tpu.memory_space<vmem>>, %arg10: memref<25x400xi32, #tpu.memory_space<vmem>>, %arg11: memref<400x64xf32, #tpu.memory_space<vmem>>, %arg12: memref<400x64xf32, #tpu.memory_space<vmem>>, %arg13: memref<!tpu.dma_semaphore, #tpu.memory_space<semaphore_mem>>, %arg14: memref<!tpu.dma_semaphore, #tpu.memory_space<semaphore_mem>>, %arg15: memref<10112x64xf32, #tpu.memory_space<vmem_shared>>) attributes {dimension_semantics = [#tpu.dimension_semantics<core_parallel>, #tpu.dimension_semantics<subcore_parallel>], iteration_bounds = array<i64: 2, 16>, scalar_prefetch = 0 : i64, scratch_operands = 8 : i64, tpu.core_type = #tpu.core_type<sc_vector_subcore>, window_params = [{transform_indices = #map}, {transform_indices = #map1}, {transform_indices = #map1}, {transform_indices = #map1}, {transform_indices = #map}, {transform_indices = #map1}]} {
    %mul3A = arith.constant 16 : i32
    %mul3A_0 = arith.muli %arg0, %mul3A : i32
    %add3A = arith.addi %mul3A_0, %arg1 : i32
    %mul3A_1 = arith.constant 632 : i32
    %mul3A_2 = arith.muli %arg1, %mul3A_1 : i32
    "tpu.region"() ({
      %run_scoped3A_56 = tpu.sem_alloc : memref<!tpu.dma_semaphore, #tpu.memory_space<semaphore_mem>>
      %dma_start3A_57 = arith.constant 0 : i32
      %dma_start3A_58 = arith.constant 0 : i32
      %dma_start3A_59 = tpu.memref_slice %arg3[%add3A, %dma_start3A_57, %dma_start3A_58] : memref<32x25x400xi32, #tpu.memory_space<hbm>> -> memref<1x25x400xi32, #tpu.memory_space<hbm>>
      %dma_start3A_60 = tpu.memref_squeeze %dma_start3A_59 : memref<1x25x400xi32, #tpu.memory_space<hbm>> -> memref<25x400xi32, #tpu.memory_space<hbm>>
      %dma_start3A_61 = arith.constant 0 : i32
      %dma_start3A_62 = arith.constant 0 : i32
      %dma_start3A_63 = tpu.memref_slice %arg3[%add3A, %dma_start3A_61, %dma_start3A_62] : memref<32x25x400xi32, #tpu.memory_space<hbm>> -> memref<1x25x400xi32, #tpu.memory_space<hbm>>
      %dma_start3A_64 = tpu.memref_squeeze %dma_start3A_63 : memref<1x25x400xi32, #tpu.memory_space<hbm>> -> memref<25x400xi32, #tpu.memory_space<hbm>>
      tpu.enqueue_dma source(%dma_start3A_64 : memref<25x400xi32, #tpu.memory_space<hbm>>) target(%arg8 : memref<25x400xi32, #tpu.memory_space<vmem>>) target_semaphore(%run_scoped3A_56 : memref<!tpu.dma_semaphore, #tpu.memory_space<semaphore_mem>>)
      %dma_wait3A_65 = arith.constant 0 : i32
      %dma_wait3A_66 = arith.constant 0 : i32
      %dma_wait3A_67 = tpu.memref_slice %arg3[%add3A, %dma_wait3A_65, %dma_wait3A_66] : memref<32x25x400xi32, #tpu.memory_space<hbm>> -> memref<1x25x400xi32, #tpu.memory_space<hbm>>
      %dma_wait3A_68 = tpu.memref_squeeze %dma_wait3A_67 : memref<1x25x400xi32, #tpu.memory_space<hbm>> -> memref<25x400xi32, #tpu.memory_space<hbm>>
      %dma_wait3A_69 = arith.constant 0 : i32
      %dma_wait3A_70 = arith.constant 0 : i32
      %dma_wait3A_71 = tpu.memref_slice %arg3[%add3A, %dma_wait3A_69, %dma_wait3A_70] : memref<32x25x400xi32, #tpu.memory_space<hbm>> -> memref<1x25x400xi32, #tpu.memory_space<hbm>>
      %dma_wait3A_72 = tpu.memref_squeeze %dma_wait3A_71 : memref<1x25x400xi32, #tpu.memory_space<hbm>> -> memref<25x400xi32, #tpu.memory_space<hbm>>
      tpu.wait_dma2 semaphore(%run_scoped3A_56 : memref<!tpu.dma_semaphore, #tpu.memory_space<semaphore_mem>>) src(%dma_wait3A_72 : memref<25x400xi32, #tpu.memory_space<hbm>>) dst(%arg8 : memref<25x400xi32, #tpu.memory_space<vmem>>)
      tpu.yield
    }) : () -> ()
    "tpu.region"() ({
      %run_scoped3A_56 = tpu.sem_alloc : memref<!tpu.dma_semaphore, #tpu.memory_space<semaphore_mem>>
      %dma_start3A_57 = arith.constant 0 : i32
      %dma_start3A_58 = arith.constant 0 : i32
      %dma_start3A_59 = tpu.memref_slice %arg4[%add3A, %dma_start3A_57, %dma_start3A_58] : memref<32x25x400xi32, #tpu.memory_space<hbm>> -> memref<1x25x400xi32, #tpu.memory_space<hbm>>
      %dma_start3A_60 = tpu.memref_squeeze %dma_start3A_59 : memref<1x25x400xi32, #tpu.memory_space<hbm>> -> memref<25x400xi32, #tpu.memory_space<hbm>>
      %dma_start3A_61 = arith.constant 0 : i32
      %dma_start3A_62 = arith.constant 0 : i32
      %dma_start3A_63 = tpu.memref_slice %arg4[%add3A, %dma_start3A_61, %dma_start3A_62] : memref<32x25x400xi32, #tpu.memory_space<hbm>> -> memref<1x25x400xi32, #tpu.memory_space<hbm>>
      %dma_start3A_64 = tpu.memref_squeeze %dma_start3A_63 : memref<1x25x400xi32, #tpu.memory_space<hbm>> -> memref<25x400xi32, #tpu.memory_space<hbm>>
      tpu.enqueue_dma source(%dma_start3A_64 : memref<25x400xi32, #tpu.memory_space<hbm>>) target(%arg9 : memref<25x400xi32, #tpu.memory_space<vmem>>) target_semaphore(%run_scoped3A_56 : memref<!tpu.dma_semaphore, #tpu.memory_space<semaphore_mem>>)
      %dma_wait3A_65 = arith.constant 0 : i32
      %dma_wait3A_66 = arith.constant 0 : i32
      %dma_wait3A_67 = tpu.memref_slice %arg4[%add3A, %dma_wait3A_65, %dma_wait3A_66] : memref<32x25x400xi32, #tpu.memory_space<hbm>> -> memref<1x25x400xi32, #tpu.memory_space<hbm>>
      %dma_wait3A_68 = tpu.memref_squeeze %dma_wait3A_67 : memref<1x25x400xi32, #tpu.memory_space<hbm>> -> memref<25x400xi32, #tpu.memory_space<hbm>>
      %dma_wait3A_69 = arith.constant 0 : i32
      %dma_wait3A_70 = arith.constant 0 : i32
      %dma_wait3A_71 = tpu.memref_slice %arg4[%add3A, %dma_wait3A_69, %dma_wait3A_70] : memref<32x25x400xi32, #tpu.memory_space<hbm>> -> memref<1x25x400xi32, #tpu.memory_space<hbm>>
      %dma_wait3A_72 = tpu.memref_squeeze %dma_wait3A_71 : memref<1x25x400xi32, #tpu.memory_space<hbm>> -> memref<25x400xi32, #tpu.memory_space<hbm>>
      tpu.wait_dma2 semaphore(%run_scoped3A_56 : memref<!tpu.dma_semaphore, #tpu.memory_space<semaphore_mem>>) src(%dma_wait3A_72 : memref<25x400xi32, #tpu.memory_space<hbm>>) dst(%arg9 : memref<25x400xi32, #tpu.memory_space<vmem>>)
      tpu.yield
    }) : () -> ()
    "tpu.region"() ({
      %run_scoped3A_56 = tpu.sem_alloc : memref<!tpu.dma_semaphore, #tpu.memory_space<semaphore_mem>>
      %dma_start3A_57 = arith.constant 0 : i32
      %dma_start3A_58 = arith.constant 0 : i32
      %dma_start3A_59 = tpu.memref_slice %arg5[%add3A, %dma_start3A_57, %dma_start3A_58] : memref<32x25x400xi32, #tpu.memory_space<hbm>> -> memref<1x25x400xi32, #tpu.memory_space<hbm>>
      %dma_start3A_60 = tpu.memref_squeeze %dma_start3A_59 : memref<1x25x400xi32, #tpu.memory_space<hbm>> -> memref<25x400xi32, #tpu.memory_space<hbm>>
      %dma_start3A_61 = arith.constant 0 : i32
      %dma_start3A_62 = arith.constant 0 : i32
      %dma_start3A_63 = tpu.memref_slice %arg5[%add3A, %dma_start3A_61, %dma_start3A_62] : memref<32x25x400xi32, #tpu.memory_space<hbm>> -> memref<1x25x400xi32, #tpu.memory_space<hbm>>
      %dma_start3A_64 = tpu.memref_squeeze %dma_start3A_63 : memref<1x25x400xi32, #tpu.memory_space<hbm>> -> memref<25x400xi32, #tpu.memory_space<hbm>>
      tpu.enqueue_dma source(%dma_start3A_64 : memref<25x400xi32, #tpu.memory_space<hbm>>) target(%arg10 : memref<25x400xi32, #tpu.memory_space<vmem>>) target_semaphore(%run_scoped3A_56 : memref<!tpu.dma_semaphore, #tpu.memory_space<semaphore_mem>>)
      %dma_wait3A_65 = arith.constant 0 : i32
      %dma_wait3A_66 = arith.constant 0 : i32
      %dma_wait3A_67 = tpu.memref_slice %arg5[%add3A, %dma_wait3A_65, %dma_wait3A_66] : memref<32x25x400xi32, #tpu.memory_space<hbm>> -> memref<1x25x400xi32, #tpu.memory_space<hbm>>
      %dma_wait3A_68 = tpu.memref_squeeze %dma_wait3A_67 : memref<1x25x400xi32, #tpu.memory_space<hbm>> -> memref<25x400xi32, #tpu.memory_space<hbm>>
      %dma_wait3A_69 = arith.constant 0 : i32
      %dma_wait3A_70 = arith.constant 0 : i32
      %dma_wait3A_71 = tpu.memref_slice %arg5[%add3A, %dma_wait3A_69, %dma_wait3A_70] : memref<32x25x400xi32, #tpu.memory_space<hbm>> -> memref<1x25x400xi32, #tpu.memory_space<hbm>>
      %dma_wait3A_72 = tpu.memref_squeeze %dma_wait3A_71 : memref<1x25x400xi32, #tpu.memory_space<hbm>> -> memref<25x400xi32, #tpu.memory_space<hbm>>
      tpu.wait_dma2 semaphore(%run_scoped3A_56 : memref<!tpu.dma_semaphore, #tpu.memory_space<semaphore_mem>>) src(%dma_wait3A_72 : memref<25x400xi32, #tpu.memory_space<hbm>>) dst(%arg10 : memref<25x400xi32, #tpu.memory_space<vmem>>)
      tpu.yield
    }) : () -> ()
    %dma_start3A = arith.constant 0 : i32
    %dma_start3A_3 = arith.constant 0 : i32
    %dma_start3A_4 = tpu.memref_slice %arg8[%dma_start3A, %dma_start3A_3] : memref<25x400xi32, #tpu.memory_space<vmem>> -> memref<1x400xi32, #tpu.memory_space<vmem>>
    %dma_start3A_5 = tpu.memref_squeeze %dma_start3A_4 : memref<1x400xi32, #tpu.memory_space<vmem>> -> memref<400xi32, #tpu.memory_space<vmem>>
    %dma_start3A_6 = arith.constant 0 : i32
    %dma_start3A_7 = arith.constant 0 : i32
    %dma_start3A_8 = tpu.memref_slice %arg2[%dma_start3A_6, %dma_start3A_7] : memref<20000x64xf32, #tpu.memory_space<hbm>> -> memref<20000x64xf32, #tpu.memory_space<hbm>>
    tpu.enqueue_indirect_dma source(%dma_start3A_8 : memref<20000x64xf32, #tpu.memory_space<hbm>>) target(%arg11 : memref<400x64xf32, #tpu.memory_space<vmem>>) offsets(%dma_start3A_5 : memref<400xi32, #tpu.memory_space<vmem>>) semaphore(%arg13 : memref<!tpu.dma_semaphore, #tpu.memory_space<semaphore_mem>>)
    %dma_start3A_9 = arith.constant 1 : i32
    %dma_start3A_10 = arith.constant 0 : i32
    %dma_start3A_11 = tpu.memref_slice %arg8[%dma_start3A_9, %dma_start3A_10] : memref<25x400xi32, #tpu.memory_space<vmem>> -> memref<1x400xi32, #tpu.memory_space<vmem>>
    %dma_start3A_12 = tpu.memref_squeeze %dma_start3A_11 : memref<1x400xi32, #tpu.memory_space<vmem>> -> memref<400xi32, #tpu.memory_space<vmem>>
    %dma_start3A_13 = arith.constant 0 : i32
    %dma_start3A_14 = arith.constant 0 : i32
    %dma_start3A_15 = tpu.memref_slice %arg2[%dma_start3A_13, %dma_start3A_14] : memref<20000x64xf32, #tpu.memory_space<hbm>> -> memref<20000x64xf32, #tpu.memory_space<hbm>>
    tpu.enqueue_indirect_dma source(%dma_start3A_15 : memref<20000x64xf32, #tpu.memory_space<hbm>>) target(%arg12 : memref<400x64xf32, #tpu.memory_space<vmem>>) offsets(%dma_start3A_12 : memref<400xi32, #tpu.memory_space<vmem>>) semaphore(%arg14 : memref<!tpu.dma_semaphore, #tpu.memory_space<semaphore_mem>>)
    "tpu.region"() ({
      %run_scoped3A_56 = tpu.sem_alloc : memref<!tpu.dma_semaphore, #tpu.memory_space<semaphore_mem>>
      %dma_start3A_57 = arith.constant 0 : i32
      %dma_start3A_58 = tpu.memref_slice %arg15[%mul3A_2, %dma_start3A_57] : memref<10112x64xf32, #tpu.memory_space<vmem_shared>> -> memref<632x64xf32, #tpu.memory_space<vmem_shared>>
      %dma_start3A_59 = arith.constant 0 : i32
      %dma_start3A_60 = tpu.memref_slice %arg6[%mul3A_2, %dma_start3A_59] : memref<10112x64xf32, #tpu.memory_space<hbm>> -> memref<632x64xf32, #tpu.memory_space<hbm>>
      tpu.enqueue_dma source(%dma_start3A_60 : memref<632x64xf32, #tpu.memory_space<hbm>>) target(%dma_start3A_58 : memref<632x64xf32, #tpu.memory_space<vmem_shared>>) target_semaphore(%run_scoped3A_56 : memref<!tpu.dma_semaphore, #tpu.memory_space<semaphore_mem>>)
      %dma_wait3A_61 = arith.constant 0 : i32
      %dma_wait3A_62 = tpu.memref_slice %arg15[%mul3A_2, %dma_wait3A_61] : memref<10112x64xf32, #tpu.memory_space<vmem_shared>> -> memref<632x64xf32, #tpu.memory_space<vmem_shared>>
      %dma_wait3A_63 = arith.constant 0 : i32
      %dma_wait3A_64 = tpu.memref_slice %arg6[%mul3A_2, %dma_wait3A_63] : memref<10112x64xf32, #tpu.memory_space<hbm>> -> memref<632x64xf32, #tpu.memory_space<hbm>>
      tpu.wait_dma2 semaphore(%run_scoped3A_56 : memref<!tpu.dma_semaphore, #tpu.memory_space<semaphore_mem>>) src(%dma_wait3A_64 : memref<632x64xf32, #tpu.memory_space<hbm>>) dst(%dma_wait3A_62 : memref<632x64xf32, #tpu.memory_space<vmem_shared>>)
      tpu.yield
    }) : () -> ()
    %barrier3A = arith.constant 0 : index
    tpu.barrier barrier_id(%barrier3A)
    %scan3A = arith.constant 0 : i32
    %scan3A_16 = arith.constant 12 : i32
    %scan3A_17 = arith.addi %scan3A, %scan3A_16 : i32
    %scan3A_18 = arith.constant 1 : i32
    scf.for %scan3A_56 = %scan3A to %scan3A_17 step %scan3A_18  : i32 {
      %mul3A_57 = arith.constant 2 : i32
      %mul3A_58 = arith.muli %scan3A_56, %mul3A_57 : i32
      %add3A_59 = arith.constant 0 : i32
      %add3A_60 = arith.addi %add3A_59, %mul3A_58 : i32
      %dma_wait3A_61 = arith.constant 0 : i32
      %dma_wait3A_62 = tpu.memref_slice %arg8[%add3A_60, %dma_wait3A_61] : memref<25x400xi32, #tpu.memory_space<vmem>> -> memref<1x400xi32, #tpu.memory_space<vmem>>
      %dma_wait3A_63 = tpu.memref_squeeze %dma_wait3A_62 : memref<1x400xi32, #tpu.memory_space<vmem>> -> memref<400xi32, #tpu.memory_space<vmem>>
      %dma_wait3A_64 = arith.constant 0 : i32
      %dma_wait3A_65 = arith.constant 0 : i32
      %dma_wait3A_66 = tpu.memref_slice %arg2[%dma_wait3A_64, %dma_wait3A_65] : memref<20000x64xf32, #tpu.memory_space<hbm>> -> memref<20000x64xf32, #tpu.memory_space<hbm>>
      tpu.wait_indirect_dma semaphore(%arg13 : memref<!tpu.dma_semaphore, #tpu.memory_space<semaphore_mem>>) src(%dma_wait3A_66 : memref<20000x64xf32, #tpu.memory_space<hbm>>) dst(%arg11 : memref<400x64xf32, #tpu.memory_space<vmem>>)
      "tpu.region"() ({
        %run_scoped3A_88 = tpu.sem_alloc : memref<!tpu.dma_semaphore, #tpu.memory_space<semaphore_mem>>
        %dma_start3A_89 = arith.constant 0 : i32
        %dma_start3A_90 = tpu.memref_slice %arg10[%add3A_60, %dma_start3A_89] : memref<25x400xi32, #tpu.memory_space<vmem>> -> memref<1x400xi32, #tpu.memory_space<vmem>>
        %dma_start3A_91 = tpu.memref_squeeze %dma_start3A_90 : memref<1x400xi32, #tpu.memory_space<vmem>> -> memref<400xi32, #tpu.memory_space<vmem>>
        %dma_start3A_92 = arith.constant 0 : i32
        %dma_start3A_93 = arith.constant 0 : i32
        %dma_start3A_94 = tpu.memref_slice %arg15[%dma_start3A_92, %dma_start3A_93] : memref<10112x64xf32, #tpu.memory_space<vmem_shared>> -> memref<10112x64xf32, #tpu.memory_space<vmem_shared>>
        tpu.enqueue_indirect_dma source(%arg11 : memref<400x64xf32, #tpu.memory_space<vmem>>) target(%dma_start3A_94 : memref<10112x64xf32, #tpu.memory_space<vmem_shared>>) offsets(%dma_start3A_91 : memref<400xi32, #tpu.memory_space<vmem>>) semaphore(%run_scoped3A_88 : memref<!tpu.dma_semaphore, #tpu.memory_space<semaphore_mem>>) {add = true}
        %dma_wait3A_95 = arith.constant 0 : i32
        %dma_wait3A_96 = tpu.memref_slice %arg10[%add3A_60, %dma_wait3A_95] : memref<25x400xi32, #tpu.memory_space<vmem>> -> memref<1x400xi32, #tpu.memory_space<vmem>>
        %dma_wait3A_97 = tpu.memref_squeeze %dma_wait3A_96 : memref<1x400xi32, #tpu.memory_space<vmem>> -> memref<400xi32, #tpu.memory_space<vmem>>
        %dma_wait3A_98 = arith.constant 0 : i32
        %dma_wait3A_99 = arith.constant 0 : i32
        %dma_wait3A_100 = tpu.memref_slice %arg15[%dma_wait3A_98, %dma_wait3A_99] : memref<10112x64xf32, #tpu.memory_space<vmem_shared>> -> memref<10112x64xf32, #tpu.memory_space<vmem_shared>>
        tpu.wait_indirect_dma semaphore(%run_scoped3A_88 : memref<!tpu.dma_semaphore, #tpu.memory_space<semaphore_mem>>) src(%arg11 : memref<400x64xf32, #tpu.memory_space<vmem>>) dst(%dma_wait3A_100 : memref<10112x64xf32, #tpu.memory_space<vmem_shared>>)
        tpu.yield
      }) : () -> ()
      %add3A_67 = arith.constant 2 : i32
      %add3A_68 = arith.addi %add3A_60, %add3A_67 : i32
      %lt3A = arith.constant 25 : i32
      %lt3A_69 = arith.cmpi slt, %add3A_68, %lt3A : i32
      %convert_element_type3A = arith.extui %lt3A_69 : i1 to i32
      %cond3A = arith.constant 0 : i32
      %cond3A_70 = arith.cmpi ne, %convert_element_type3A, %cond3A : i32
      scf.if %cond3A_70 {
        %add3A_88 = arith.constant 2 : i32
        %add3A_89 = arith.addi %add3A_60, %add3A_88 : i32
        %dma_start3A_90 = arith.constant 0 : i32
        %dma_start3A_91 = tpu.memref_slice %arg8[%add3A_89, %dma_start3A_90] : memref<25x400xi32, #tpu.memory_space<vmem>> -> memref<1x400xi32, #tpu.memory_space<vmem>>
        %dma_start3A_92 = tpu.memref_squeeze %dma_start3A_91 : memref<1x400xi32, #tpu.memory_space<vmem>> -> memref<400xi32, #tpu.memory_space<vmem>>
        %dma_start3A_93 = arith.constant 0 : i32
        %dma_start3A_94 = arith.constant 0 : i32
        %dma_start3A_95 = tpu.memref_slice %arg2[%dma_start3A_93, %dma_start3A_94] : memref<20000x64xf32, #tpu.memory_space<hbm>> -> memref<20000x64xf32, #tpu.memory_space<hbm>>
        tpu.enqueue_indirect_dma source(%dma_start3A_95 : memref<20000x64xf32, #tpu.memory_space<hbm>>) target(%arg11 : memref<400x64xf32, #tpu.memory_space<vmem>>) offsets(%dma_start3A_92 : memref<400xi32, #tpu.memory_space<vmem>>) semaphore(%arg13 : memref<!tpu.dma_semaphore, #tpu.memory_space<semaphore_mem>>)
      } else {
      }
      %add3A_71 = arith.constant 1 : i32
      %add3A_72 = arith.addi %add3A_60, %add3A_71 : i32
      %dma_wait3A_73 = arith.constant 0 : i32
      %dma_wait3A_74 = tpu.memref_slice %arg8[%add3A_72, %dma_wait3A_73] : memref<25x400xi32, #tpu.memory_space<vmem>> -> memref<1x400xi32, #tpu.memory_space<vmem>>
      %dma_wait3A_75 = tpu.memref_squeeze %dma_wait3A_74 : memref<1x400xi32, #tpu.memory_space<vmem>> -> memref<400xi32, #tpu.memory_space<vmem>>
      %dma_wait3A_76 = arith.constant 0 : i32
      %dma_wait3A_77 = arith.constant 0 : i32
      %dma_wait3A_78 = tpu.memref_slice %arg2[%dma_wait3A_76, %dma_wait3A_77] : memref<20000x64xf32, #tpu.memory_space<hbm>> -> memref<20000x64xf32, #tpu.memory_space<hbm>>
      tpu.wait_indirect_dma semaphore(%arg14 : memref<!tpu.dma_semaphore, #tpu.memory_space<semaphore_mem>>) src(%dma_wait3A_78 : memref<20000x64xf32, #tpu.memory_space<hbm>>) dst(%arg12 : memref<400x64xf32, #tpu.memory_space<vmem>>)
      %add3A_79 = arith.constant 1 : i32
      %add3A_80 = arith.addi %add3A_60, %add3A_79 : i32
      "tpu.region"() ({
        %run_scoped3A_88 = tpu.sem_alloc : memref<!tpu.dma_semaphore, #tpu.memory_space<semaphore_mem>>
        %dma_start3A_89 = arith.constant 0 : i32
        %dma_start3A_90 = tpu.memref_slice %arg10[%add3A_80, %dma_start3A_89] : memref<25x400xi32, #tpu.memory_space<vmem>> -> memref<1x400xi32, #tpu.memory_space<vmem>>
        %dma_start3A_91 = tpu.memref_squeeze %dma_start3A_90 : memref<1x400xi32, #tpu.memory_space<vmem>> -> memref<400xi32, #tpu.memory_space<vmem>>
        %dma_start3A_92 = arith.constant 0 : i32
        %dma_start3A_93 = arith.constant 0 : i32
        %dma_start3A_94 = tpu.memref_slice %arg15[%dma_start3A_92, %dma_start3A_93] : memref<10112x64xf32, #tpu.memory_space<vmem_shared>> -> memref<10112x64xf32, #tpu.memory_space<vmem_shared>>
        tpu.enqueue_indirect_dma source(%arg12 : memref<400x64xf32, #tpu.memory_space<vmem>>) target(%dma_start3A_94 : memref<10112x64xf32, #tpu.memory_space<vmem_shared>>) offsets(%dma_start3A_91 : memref<400xi32, #tpu.memory_space<vmem>>) semaphore(%run_scoped3A_88 : memref<!tpu.dma_semaphore, #tpu.memory_space<semaphore_mem>>) {add = true}
        %dma_wait3A_95 = arith.constant 0 : i32
        %dma_wait3A_96 = tpu.memref_slice %arg10[%add3A_80, %dma_wait3A_95] : memref<25x400xi32, #tpu.memory_space<vmem>> -> memref<1x400xi32, #tpu.memory_space<vmem>>
        %dma_wait3A_97 = tpu.memref_squeeze %dma_wait3A_96 : memref<1x400xi32, #tpu.memory_space<vmem>> -> memref<400xi32, #tpu.memory_space<vmem>>
        %dma_wait3A_98 = arith.constant 0 : i32
        %dma_wait3A_99 = arith.constant 0 : i32
        %dma_wait3A_100 = tpu.memref_slice %arg15[%dma_wait3A_98, %dma_wait3A_99] : memref<10112x64xf32, #tpu.memory_space<vmem_shared>> -> memref<10112x64xf32, #tpu.memory_space<vmem_shared>>
        tpu.wait_indirect_dma semaphore(%run_scoped3A_88 : memref<!tpu.dma_semaphore, #tpu.memory_space<semaphore_mem>>) src(%arg12 : memref<400x64xf32, #tpu.memory_space<vmem>>) dst(%dma_wait3A_100 : memref<10112x64xf32, #tpu.memory_space<vmem_shared>>)
        tpu.yield
      }) : () -> ()
      %add3A_81 = arith.constant 3 : i32
      %add3A_82 = arith.addi %add3A_60, %add3A_81 : i32
      %lt3A_83 = arith.constant 25 : i32
      %lt3A_84 = arith.cmpi slt, %add3A_82, %lt3A_83 : i32
      %convert_element_type3A_85 = arith.extui %lt3A_84 : i1 to i32
      %cond3A_86 = arith.constant 0 : i32
      %cond3A_87 = arith.cmpi ne, %convert_element_type3A_85, %cond3A_86 : i32
      scf.if %cond3A_87 {
        %add3A_88 = arith.constant 3 : i32
        %add3A_89 = arith.addi %add3A_60, %add3A_88 : i32
        %dma_start3A_90 = arith.constant 0 : i32
        %dma_start3A_91 = tpu.memref_slice %arg8[%add3A_89, %dma_start3A_90] : memref<25x400xi32, #tpu.memory_space<vmem>> -> memref<1x400xi32, #tpu.memory_space<vmem>>
        %dma_start3A_92 = tpu.memref_squeeze %dma_start3A_91 : memref<1x400xi32, #tpu.memory_space<vmem>> -> memref<400xi32, #tpu.memory_space<vmem>>
        %dma_start3A_93 = arith.constant 0 : i32
        %dma_start3A_94 = arith.constant 0 : i32
        %dma_start3A_95 = tpu.memref_slice %arg2[%dma_start3A_93, %dma_start3A_94] : memref<20000x64xf32, #tpu.memory_space<hbm>> -> memref<20000x64xf32, #tpu.memory_space<hbm>>
        tpu.enqueue_indirect_dma source(%dma_start3A_95 : memref<20000x64xf32, #tpu.memory_space<hbm>>) target(%arg12 : memref<400x64xf32, #tpu.memory_space<vmem>>) offsets(%dma_start3A_92 : memref<400xi32, #tpu.memory_space<vmem>>) semaphore(%arg14 : memref<!tpu.dma_semaphore, #tpu.memory_space<semaphore_mem>>)
      } else {
      }
    }
    %scan3A_19 = arith.constant 12 : i32
    %dma_wait3A = arith.constant 24 : i32
    %dma_wait3A_20 = arith.constant 0 : i32
    %dma_wait3A_21 = tpu.memref_slice %arg8[%dma_wait3A, %dma_wait3A_20] : memref<25x400xi32, #tpu.memory_space<vmem>> -> memref<1x400xi32, #tpu.memory_space<vmem>>
    %dma_wait3A_22 = tpu.memref_squeeze %dma_wait3A_21 : memref<1x400xi32, #tpu.memory_space<vmem>> -> memref<400xi32, #tpu.memory_space<vmem>>
    %dma_wait3A_23 = arith.constant 0 : i32
    %dma_wait3A_24 = arith.constant 0 : i32
    %dma_wait3A_25 = tpu.memref_slice %arg2[%dma_wait3A_23, %dma_wait3A_24] : memref<20000x64xf32, #tpu.memory_space<hbm>> -> memref<20000x64xf32, #tpu.memory_space<hbm>>
    tpu.wait_indirect_dma semaphore(%arg13 : memref<!tpu.dma_semaphore, #tpu.memory_space<semaphore_mem>>) src(%dma_wait3A_25 : memref<20000x64xf32, #tpu.memory_space<hbm>>) dst(%arg11 : memref<400x64xf32, #tpu.memory_space<vmem>>)
    %run_scoped3A = arith.constant 24 : i32
    "tpu.region"() ({
      %run_scoped3A_56 = tpu.sem_alloc : memref<!tpu.dma_semaphore, #tpu.memory_space<semaphore_mem>>
      %dma_start3A_57 = arith.constant 0 : i32
      %dma_start3A_58 = tpu.memref_slice %arg10[%run_scoped3A, %dma_start3A_57] : memref<25x400xi32, #tpu.memory_space<vmem>> -> memref<1x400xi32, #tpu.memory_space<vmem>>
      %dma_start3A_59 = tpu.memref_squeeze %dma_start3A_58 : memref<1x400xi32, #tpu.memory_space<vmem>> -> memref<400xi32, #tpu.memory_space<vmem>>
      %dma_start3A_60 = arith.constant 0 : i32
      %dma_start3A_61 = arith.constant 0 : i32
      %dma_start3A_62 = tpu.memref_slice %arg15[%dma_start3A_60, %dma_start3A_61] : memref<10112x64xf32, #tpu.memory_space<vmem_shared>> -> memref<10112x64xf32, #tpu.memory_space<vmem_shared>>
      tpu.enqueue_indirect_dma source(%arg11 : memref<400x64xf32, #tpu.memory_space<vmem>>) target(%dma_start3A_62 : memref<10112x64xf32, #tpu.memory_space<vmem_shared>>) offsets(%dma_start3A_59 : memref<400xi32, #tpu.memory_space<vmem>>) semaphore(%run_scoped3A_56 : memref<!tpu.dma_semaphore, #tpu.memory_space<semaphore_mem>>) {add = true}
      %dma_wait3A_63 = arith.constant 0 : i32
      %dma_wait3A_64 = tpu.memref_slice %arg10[%run_scoped3A, %dma_wait3A_63] : memref<25x400xi32, #tpu.memory_space<vmem>> -> memref<1x400xi32, #tpu.memory_space<vmem>>
      %dma_wait3A_65 = tpu.memref_squeeze %dma_wait3A_64 : memref<1x400xi32, #tpu.memory_space<vmem>> -> memref<400xi32, #tpu.memory_space<vmem>>
      %dma_wait3A_66 = arith.constant 0 : i32
      %dma_wait3A_67 = arith.constant 0 : i32
      %dma_wait3A_68 = tpu.memref_slice %arg15[%dma_wait3A_66, %dma_wait3A_67] : memref<10112x64xf32, #tpu.memory_space<vmem_shared>> -> memref<10112x64xf32, #tpu.memory_space<vmem_shared>>
      tpu.wait_indirect_dma semaphore(%run_scoped3A_56 : memref<!tpu.dma_semaphore, #tpu.memory_space<semaphore_mem>>) src(%arg11 : memref<400x64xf32, #tpu.memory_space<vmem>>) dst(%dma_wait3A_68 : memref<10112x64xf32, #tpu.memory_space<vmem_shared>>)
      tpu.yield
    }) : () -> ()
    %barrier3A_26 = arith.constant 0 : index
    tpu.barrier barrier_id(%barrier3A_26)
    "tpu.region"() ({
      %run_scoped3A_56 = tpu.sem_alloc : memref<!tpu.dma_semaphore, #tpu.memory_space<semaphore_mem>>
      %dma_start3A_57 = arith.constant 0 : i32
      %dma_start3A_58 = tpu.memref_slice %arg7[%arg0, %mul3A_2, %dma_start3A_57] : memref<2x10112x128xf32, #tpu.memory_space<hbm>> -> memref<1x632x64xf32, #tpu.memory_space<hbm>>
      %dma_start3A_59 = tpu.memref_squeeze %dma_start3A_58 : memref<1x632x64xf32, #tpu.memory_space<hbm>> -> memref<632x64xf32, #tpu.memory_space<hbm>>
      %dma_start3A_60 = arith.constant 0 : i32
      %dma_start3A_61 = tpu.memref_slice %arg15[%mul3A_2, %dma_start3A_60] : memref<10112x64xf32, #tpu.memory_space<vmem_shared>> -> memref<632x64xf32, #tpu.memory_space<vmem_shared>>
      tpu.enqueue_dma source(%dma_start3A_61 : memref<632x64xf32, #tpu.memory_space<vmem_shared>>) target(%dma_start3A_59 : memref<632x64xf32, #tpu.memory_space<hbm>>) target_semaphore(%run_scoped3A_56 : memref<!tpu.dma_semaphore, #tpu.memory_space<semaphore_mem>>)
      %dma_wait3A_62 = arith.constant 0 : i32
      %dma_wait3A_63 = tpu.memref_slice %arg7[%arg0, %mul3A_2, %dma_wait3A_62] : memref<2x10112x128xf32, #tpu.memory_space<hbm>> -> memref<1x632x64xf32, #tpu.memory_space<hbm>>
      %dma_wait3A_64 = tpu.memref_squeeze %dma_wait3A_63 : memref<1x632x64xf32, #tpu.memory_space<hbm>> -> memref<632x64xf32, #tpu.memory_space<hbm>>
      %dma_wait3A_65 = arith.constant 0 : i32
      %dma_wait3A_66 = tpu.memref_slice %arg15[%mul3A_2, %dma_wait3A_65] : memref<10112x64xf32, #tpu.memory_space<vmem_shared>> -> memref<632x64xf32, #tpu.memory_space<vmem_shared>>
      tpu.wait_dma2 semaphore(%run_scoped3A_56 : memref<!tpu.dma_semaphore, #tpu.memory_space<semaphore_mem>>) src(%dma_wait3A_66 : memref<632x64xf32, #tpu.memory_space<vmem_shared>>) dst(%dma_wait3A_64 : memref<632x64xf32, #tpu.memory_space<hbm>>)
      tpu.yield
    }) : () -> ()
    %dma_start3A_27 = arith.constant 0 : i32
    %dma_start3A_28 = arith.constant 0 : i32
    %dma_start3A_29 = tpu.memref_slice %arg9[%dma_start3A_27, %dma_start3A_28] : memref<25x400xi32, #tpu.memory_space<vmem>> -> memref<1x400xi32, #tpu.memory_space<vmem>>
    %dma_start3A_30 = tpu.memref_squeeze %dma_start3A_29 : memref<1x400xi32, #tpu.memory_space<vmem>> -> memref<400xi32, #tpu.memory_space<vmem>>
    %dma_start3A_31 = arith.constant 0 : i32
    %dma_start3A_32 = arith.constant 0 : i32
    %dma_start3A_33 = tpu.memref_slice %arg2[%dma_start3A_31, %dma_start3A_32] : memref<20000x64xf32, #tpu.memory_space<hbm>> -> memref<20000x64xf32, #tpu.memory_space<hbm>>
    tpu.enqueue_indirect_dma source(%dma_start3A_33 : memref<20000x64xf32, #tpu.memory_space<hbm>>) target(%arg11 : memref<400x64xf32, #tpu.memory_space<vmem>>) offsets(%dma_start3A_30 : memref<400xi32, #tpu.memory_space<vmem>>) semaphore(%arg13 : memref<!tpu.dma_semaphore, #tpu.memory_space<semaphore_mem>>)
    %dma_start3A_34 = arith.constant 1 : i32
    %dma_start3A_35 = arith.constant 0 : i32
    %dma_start3A_36 = tpu.memref_slice %arg9[%dma_start3A_34, %dma_start3A_35] : memref<25x400xi32, #tpu.memory_space<vmem>> -> memref<1x400xi32, #tpu.memory_space<vmem>>
    %dma_start3A_37 = tpu.memref_squeeze %dma_start3A_36 : memref<1x400xi32, #tpu.memory_space<vmem>> -> memref<400xi32, #tpu.memory_space<vmem>>
    %dma_start3A_38 = arith.constant 0 : i32
    %dma_start3A_39 = arith.constant 0 : i32
    %dma_start3A_40 = tpu.memref_slice %arg2[%dma_start3A_38, %dma_start3A_39] : memref<20000x64xf32, #tpu.memory_space<hbm>> -> memref<20000x64xf32, #tpu.memory_space<hbm>>
    tpu.enqueue_indirect_dma source(%dma_start3A_40 : memref<20000x64xf32, #tpu.memory_space<hbm>>) target(%arg12 : memref<400x64xf32, #tpu.memory_space<vmem>>) offsets(%dma_start3A_37 : memref<400xi32, #tpu.memory_space<vmem>>) semaphore(%arg14 : memref<!tpu.dma_semaphore, #tpu.memory_space<semaphore_mem>>)
    "tpu.region"() ({
      %run_scoped3A_56 = tpu.sem_alloc : memref<!tpu.dma_semaphore, #tpu.memory_space<semaphore_mem>>
      %dma_start3A_57 = arith.constant 0 : i32
      %dma_start3A_58 = tpu.memref_slice %arg15[%mul3A_2, %dma_start3A_57] : memref<10112x64xf32, #tpu.memory_space<vmem_shared>> -> memref<632x64xf32, #tpu.memory_space<vmem_shared>>
      %dma_start3A_59 = arith.constant 0 : i32
      %dma_start3A_60 = tpu.memref_slice %arg6[%mul3A_2, %dma_start3A_59] : memref<10112x64xf32, #tpu.memory_space<hbm>> -> memref<632x64xf32, #tpu.memory_space<hbm>>
      tpu.enqueue_dma source(%dma_start3A_60 : memref<632x64xf32, #tpu.memory_space<hbm>>) target(%dma_start3A_58 : memref<632x64xf32, #tpu.memory_space<vmem_shared>>) target_semaphore(%run_scoped3A_56 : memref<!tpu.dma_semaphore, #tpu.memory_space<semaphore_mem>>)
      %dma_wait3A_61 = arith.constant 0 : i32
      %dma_wait3A_62 = tpu.memref_slice %arg15[%mul3A_2, %dma_wait3A_61] : memref<10112x64xf32, #tpu.memory_space<vmem_shared>> -> memref<632x64xf32, #tpu.memory_space<vmem_shared>>
      %dma_wait3A_63 = arith.constant 0 : i32
      %dma_wait3A_64 = tpu.memref_slice %arg6[%mul3A_2, %dma_wait3A_63] : memref<10112x64xf32, #tpu.memory_space<hbm>> -> memref<632x64xf32, #tpu.memory_space<hbm>>
      tpu.wait_dma2 semaphore(%run_scoped3A_56 : memref<!tpu.dma_semaphore, #tpu.memory_space<semaphore_mem>>) src(%dma_wait3A_64 : memref<632x64xf32, #tpu.memory_space<hbm>>) dst(%dma_wait3A_62 : memref<632x64xf32, #tpu.memory_space<vmem_shared>>)
      tpu.yield
    }) : () -> ()
    %barrier3A_41 = arith.constant 0 : index
    tpu.barrier barrier_id(%barrier3A_41)
    %scan3A_42 = arith.constant 0 : i32
    %scan3A_43 = arith.constant 12 : i32
    %scan3A_44 = arith.addi %scan3A_42, %scan3A_43 : i32
    %scan3A_45 = arith.constant 1 : i32
    scf.for %scan3A_56 = %scan3A_42 to %scan3A_44 step %scan3A_45  : i32 {
      %mul3A_57 = arith.constant 2 : i32
      %mul3A_58 = arith.muli %scan3A_56, %mul3A_57 : i32
      %add3A_59 = arith.constant 0 : i32
      %add3A_60 = arith.addi %add3A_59, %mul3A_58 : i32
      %dma_wait3A_61 = arith.constant 0 : i32
      %dma_wait3A_62 = tpu.memref_slice %arg9[%add3A_60, %dma_wait3A_61] : memref<25x400xi32, #tpu.memory_space<vmem>> -> memref<1x400xi32, #tpu.memory_space<vmem>>
      %dma_wait3A_63 = tpu.memref_squeeze %dma_wait3A_62 : memref<1x400xi32, #tpu.memory_space<vmem>> -> memref<400xi32, #tpu.memory_space<vmem>>
      %dma_wait3A_64 = arith.constant 0 : i32
      %dma_wait3A_65 = arith.constant 0 : i32
      %dma_wait3A_66 = tpu.memref_slice %arg2[%dma_wait3A_64, %dma_wait3A_65] : memref<20000x64xf32, #tpu.memory_space<hbm>> -> memref<20000x64xf32, #tpu.memory_space<hbm>>
      tpu.wait_indirect_dma semaphore(%arg13 : memref<!tpu.dma_semaphore, #tpu.memory_space<semaphore_mem>>) src(%dma_wait3A_66 : memref<20000x64xf32, #tpu.memory_space<hbm>>) dst(%arg11 : memref<400x64xf32, #tpu.memory_space<vmem>>)
      "tpu.region"() ({
        %run_scoped3A_88 = tpu.sem_alloc : memref<!tpu.dma_semaphore, #tpu.memory_space<semaphore_mem>>
        %dma_start3A_89 = arith.constant 0 : i32
        %dma_start3A_90 = tpu.memref_slice %arg10[%add3A_60, %dma_start3A_89] : memref<25x400xi32, #tpu.memory_space<vmem>> -> memref<1x400xi32, #tpu.memory_space<vmem>>
        %dma_start3A_91 = tpu.memref_squeeze %dma_start3A_90 : memref<1x400xi32, #tpu.memory_space<vmem>> -> memref<400xi32, #tpu.memory_space<vmem>>
        %dma_start3A_92 = arith.constant 0 : i32
        %dma_start3A_93 = arith.constant 0 : i32
        %dma_start3A_94 = tpu.memref_slice %arg15[%dma_start3A_92, %dma_start3A_93] : memref<10112x64xf32, #tpu.memory_space<vmem_shared>> -> memref<10112x64xf32, #tpu.memory_space<vmem_shared>>
        tpu.enqueue_indirect_dma source(%arg11 : memref<400x64xf32, #tpu.memory_space<vmem>>) target(%dma_start3A_94 : memref<10112x64xf32, #tpu.memory_space<vmem_shared>>) offsets(%dma_start3A_91 : memref<400xi32, #tpu.memory_space<vmem>>) semaphore(%run_scoped3A_88 : memref<!tpu.dma_semaphore, #tpu.memory_space<semaphore_mem>>) {add = true}
        %dma_wait3A_95 = arith.constant 0 : i32
        %dma_wait3A_96 = tpu.memref_slice %arg10[%add3A_60, %dma_wait3A_95] : memref<25x400xi32, #tpu.memory_space<vmem>> -> memref<1x400xi32, #tpu.memory_space<vmem>>
        %dma_wait3A_97 = tpu.memref_squeeze %dma_wait3A_96 : memref<1x400xi32, #tpu.memory_space<vmem>> -> memref<400xi32, #tpu.memory_space<vmem>>
        %dma_wait3A_98 = arith.constant 0 : i32
        %dma_wait3A_99 = arith.constant 0 : i32
        %dma_wait3A_100 = tpu.memref_slice %arg15[%dma_wait3A_98, %dma_wait3A_99] : memref<10112x64xf32, #tpu.memory_space<vmem_shared>> -> memref<10112x64xf32, #tpu.memory_space<vmem_shared>>
        tpu.wait_indirect_dma semaphore(%run_scoped3A_88 : memref<!tpu.dma_semaphore, #tpu.memory_space<semaphore_mem>>) src(%arg11 : memref<400x64xf32, #tpu.memory_space<vmem>>) dst(%dma_wait3A_100 : memref<10112x64xf32, #tpu.memory_space<vmem_shared>>)
        tpu.yield
      }) : () -> ()
      %add3A_67 = arith.constant 2 : i32
      %add3A_68 = arith.addi %add3A_60, %add3A_67 : i32
      %lt3A = arith.constant 25 : i32
      %lt3A_69 = arith.cmpi slt, %add3A_68, %lt3A : i32
      %convert_element_type3A = arith.extui %lt3A_69 : i1 to i32
      %cond3A = arith.constant 0 : i32
      %cond3A_70 = arith.cmpi ne, %convert_element_type3A, %cond3A : i32
      scf.if %cond3A_70 {
        %add3A_88 = arith.constant 2 : i32
        %add3A_89 = arith.addi %add3A_60, %add3A_88 : i32
        %dma_start3A_90 = arith.constant 0 : i32
        %dma_start3A_91 = tpu.memref_slice %arg9[%add3A_89, %dma_start3A_90] : memref<25x400xi32, #tpu.memory_space<vmem>> -> memref<1x400xi32, #tpu.memory_space<vmem>>
        %dma_start3A_92 = tpu.memref_squeeze %dma_start3A_91 : memref<1x400xi32, #tpu.memory_space<vmem>> -> memref<400xi32, #tpu.memory_space<vmem>>
        %dma_start3A_93 = arith.constant 0 : i32
        %dma_start3A_94 = arith.constant 0 : i32
        %dma_start3A_95 = tpu.memref_slice %arg2[%dma_start3A_93, %dma_start3A_94] : memref<20000x64xf32, #tpu.memory_space<hbm>> -> memref<20000x64xf32, #tpu.memory_space<hbm>>
        tpu.enqueue_indirect_dma source(%dma_start3A_95 : memref<20000x64xf32, #tpu.memory_space<hbm>>) target(%arg11 : memref<400x64xf32, #tpu.memory_space<vmem>>) offsets(%dma_start3A_92 : memref<400xi32, #tpu.memory_space<vmem>>) semaphore(%arg13 : memref<!tpu.dma_semaphore, #tpu.memory_space<semaphore_mem>>)
      } else {
      }
      %add3A_71 = arith.constant 1 : i32
      %add3A_72 = arith.addi %add3A_60, %add3A_71 : i32
      %dma_wait3A_73 = arith.constant 0 : i32
      %dma_wait3A_74 = tpu.memref_slice %arg9[%add3A_72, %dma_wait3A_73] : memref<25x400xi32, #tpu.memory_space<vmem>> -> memref<1x400xi32, #tpu.memory_space<vmem>>
      %dma_wait3A_75 = tpu.memref_squeeze %dma_wait3A_74 : memref<1x400xi32, #tpu.memory_space<vmem>> -> memref<400xi32, #tpu.memory_space<vmem>>
      %dma_wait3A_76 = arith.constant 0 : i32
      %dma_wait3A_77 = arith.constant 0 : i32
      %dma_wait3A_78 = tpu.memref_slice %arg2[%dma_wait3A_76, %dma_wait3A_77] : memref<20000x64xf32, #tpu.memory_space<hbm>> -> memref<20000x64xf32, #tpu.memory_space<hbm>>
      tpu.wait_indirect_dma semaphore(%arg14 : memref<!tpu.dma_semaphore, #tpu.memory_space<semaphore_mem>>) src(%dma_wait3A_78 : memref<20000x64xf32, #tpu.memory_space<hbm>>) dst(%arg12 : memref<400x64xf32, #tpu.memory_space<vmem>>)
      %add3A_79 = arith.constant 1 : i32
      %add3A_80 = arith.addi %add3A_60, %add3A_79 : i32
      "tpu.region"() ({
        %run_scoped3A_88 = tpu.sem_alloc : memref<!tpu.dma_semaphore, #tpu.memory_space<semaphore_mem>>
        %dma_start3A_89 = arith.constant 0 : i32
        %dma_start3A_90 = tpu.memref_slice %arg10[%add3A_80, %dma_start3A_89] : memref<25x400xi32, #tpu.memory_space<vmem>> -> memref<1x400xi32, #tpu.memory_space<vmem>>
        %dma_start3A_91 = tpu.memref_squeeze %dma_start3A_90 : memref<1x400xi32, #tpu.memory_space<vmem>> -> memref<400xi32, #tpu.memory_space<vmem>>
        %dma_start3A_92 = arith.constant 0 : i32
        %dma_start3A_93 = arith.constant 0 : i32
        %dma_start3A_94 = tpu.memref_slice %arg15[%dma_start3A_92, %dma_start3A_93] : memref<10112x64xf32, #tpu.memory_space<vmem_shared>> -> memref<10112x64xf32, #tpu.memory_space<vmem_shared>>
        tpu.enqueue_indirect_dma source(%arg12 : memref<400x64xf32, #tpu.memory_space<vmem>>) target(%dma_start3A_94 : memref<10112x64xf32, #tpu.memory_space<vmem_shared>>) offsets(%dma_start3A_91 : memref<400xi32, #tpu.memory_space<vmem>>) semaphore(%run_scoped3A_88 : memref<!tpu.dma_semaphore, #tpu.memory_space<semaphore_mem>>) {add = true}
        %dma_wait3A_95 = arith.constant 0 : i32
        %dma_wait3A_96 = tpu.memref_slice %arg10[%add3A_80, %dma_wait3A_95] : memref<25x400xi32, #tpu.memory_space<vmem>> -> memref<1x400xi32, #tpu.memory_space<vmem>>
        %dma_wait3A_97 = tpu.memref_squeeze %dma_wait3A_96 : memref<1x400xi32, #tpu.memory_space<vmem>> -> memref<400xi32, #tpu.memory_space<vmem>>
        %dma_wait3A_98 = arith.constant 0 : i32
        %dma_wait3A_99 = arith.constant 0 : i32
        %dma_wait3A_100 = tpu.memref_slice %arg15[%dma_wait3A_98, %dma_wait3A_99] : memref<10112x64xf32, #tpu.memory_space<vmem_shared>> -> memref<10112x64xf32, #tpu.memory_space<vmem_shared>>
        tpu.wait_indirect_dma semaphore(%run_scoped3A_88 : memref<!tpu.dma_semaphore, #tpu.memory_space<semaphore_mem>>) src(%arg12 : memref<400x64xf32, #tpu.memory_space<vmem>>) dst(%dma_wait3A_100 : memref<10112x64xf32, #tpu.memory_space<vmem_shared>>)
        tpu.yield
      }) : () -> ()
      %add3A_81 = arith.constant 3 : i32
      %add3A_82 = arith.addi %add3A_60, %add3A_81 : i32
      %lt3A_83 = arith.constant 25 : i32
      %lt3A_84 = arith.cmpi slt, %add3A_82, %lt3A_83 : i32
      %convert_element_type3A_85 = arith.extui %lt3A_84 : i1 to i32
      %cond3A_86 = arith.constant 0 : i32
      %cond3A_87 = arith.cmpi ne, %convert_element_type3A_85, %cond3A_86 : i32
      scf.if %cond3A_87 {
        %add3A_88 = arith.constant 3 : i32
        %add3A_89 = arith.addi %add3A_60, %add3A_88 : i32
        %dma_start3A_90 = arith.constant 0 : i32
        %dma_start3A_91 = tpu.memref_slice %arg9[%add3A_89, %dma_start3A_90] : memref<25x400xi32, #tpu.memory_space<vmem>> -> memref<1x400xi32, #tpu.memory_space<vmem>>
        %dma_start3A_92 = tpu.memref_squeeze %dma_start3A_91 : memref<1x400xi32, #tpu.memory_space<vmem>> -> memref<400xi32, #tpu.memory_space<vmem>>
        %dma_start3A_93 = arith.constant 0 : i32
        %dma_start3A_94 = arith.constant 0 : i32
        %dma_start3A_95 = tpu.memref_slice %arg2[%dma_start3A_93, %dma_start3A_94] : memref<20000x64xf32, #tpu.memory_space<hbm>> -> memref<20000x64xf32, #tpu.memory_space<hbm>>
        tpu.enqueue_indirect_dma source(%dma_start3A_95 : memref<20000x64xf32, #tpu.memory_space<hbm>>) target(%arg12 : memref<400x64xf32, #tpu.memory_space<vmem>>) offsets(%dma_start3A_92 : memref<400xi32, #tpu.memory_space<vmem>>) semaphore(%arg14 : memref<!tpu.dma_semaphore, #tpu.memory_space<semaphore_mem>>)
      } else {
      }
    }
    %scan3A_46 = arith.constant 12 : i32
    %dma_wait3A_47 = arith.constant 24 : i32
    %dma_wait3A_48 = arith.constant 0 : i32
    %dma_wait3A_49 = tpu.memref_slice %arg9[%dma_wait3A_47, %dma_wait3A_48] : memref<25x400xi32, #tpu.memory_space<vmem>> -> memref<1x400xi32, #tpu.memory_space<vmem>>
    %dma_wait3A_50 = tpu.memref_squeeze %dma_wait3A_49 : memref<1x400xi32, #tpu.memory_space<vmem>> -> memref<400xi32, #tpu.memory_space<vmem>>
    %dma_wait3A_51 = arith.constant 0 : i32
    %dma_wait3A_52 = arith.constant 0 : i32
    %dma_wait3A_53 = tpu.memref_slice %arg2[%dma_wait3A_51, %dma_wait3A_52] : memref<20000x64xf32, #tpu.memory_space<hbm>> -> memref<20000x64xf32, #tpu.memory_space<hbm>>
    tpu.wait_indirect_dma semaphore(%arg13 : memref<!tpu.dma_semaphore, #tpu.memory_space<semaphore_mem>>) src(%dma_wait3A_53 : memref<20000x64xf32, #tpu.memory_space<hbm>>) dst(%arg11 : memref<400x64xf32, #tpu.memory_space<vmem>>)
    %run_scoped3A_54 = arith.constant 24 : i32
    "tpu.region"() ({
      %run_scoped3A_56 = tpu.sem_alloc : memref<!tpu.dma_semaphore, #tpu.memory_space<semaphore_mem>>
      %dma_start3A_57 = arith.constant 0 : i32
      %dma_start3A_58 = tpu.memref_slice %arg10[%run_scoped3A_54, %dma_start3A_57] : memref<25x400xi32, #tpu.memory_space<vmem>> -> memref<1x400xi32, #tpu.memory_space<vmem>>
      %dma_start3A_59 = tpu.memref_squeeze %dma_start3A_58 : memref<1x400xi32, #tpu.memory_space<vmem>> -> memref<400xi32, #tpu.memory_space<vmem>>
      %dma_start3A_60 = arith.constant 0 : i32
      %dma_start3A_61 = arith.constant 0 : i32
      %dma_start3A_62 = tpu.memref_slice %arg15[%dma_start3A_60, %dma_start3A_61] : memref<10112x64xf32, #tpu.memory_space<vmem_shared>> -> memref<10112x64xf32, #tpu.memory_space<vmem_shared>>
      tpu.enqueue_indirect_dma source(%arg11 : memref<400x64xf32, #tpu.memory_space<vmem>>) target(%dma_start3A_62 : memref<10112x64xf32, #tpu.memory_space<vmem_shared>>) offsets(%dma_start3A_59 : memref<400xi32, #tpu.memory_space<vmem>>) semaphore(%run_scoped3A_56 : memref<!tpu.dma_semaphore, #tpu.memory_space<semaphore_mem>>) {add = true}
      %dma_wait3A_63 = arith.constant 0 : i32
      %dma_wait3A_64 = tpu.memref_slice %arg10[%run_scoped3A_54, %dma_wait3A_63] : memref<25x400xi32, #tpu.memory_space<vmem>> -> memref<1x400xi32, #tpu.memory_space<vmem>>
      %dma_wait3A_65 = tpu.memref_squeeze %dma_wait3A_64 : memref<1x400xi32, #tpu.memory_space<vmem>> -> memref<400xi32, #tpu.memory_space<vmem>>
      %dma_wait3A_66 = arith.constant 0 : i32
      %dma_wait3A_67 = arith.constant 0 : i32
      %dma_wait3A_68 = tpu.memref_slice %arg15[%dma_wait3A_66, %dma_wait3A_67] : memref<10112x64xf32, #tpu.memory_space<vmem_shared>> -> memref<10112x64xf32, #tpu.memory_space<vmem_shared>>
      tpu.wait_indirect_dma semaphore(%run_scoped3A_56 : memref<!tpu.dma_semaphore, #tpu.memory_space<semaphore_mem>>) src(%arg11 : memref<400x64xf32, #tpu.memory_space<vmem>>) dst(%dma_wait3A_68 : memref<10112x64xf32, #tpu.memory_space<vmem_shared>>)
      tpu.yield
    }) : () -> ()
    %barrier3A_55 = arith.constant 0 : index
    tpu.barrier barrier_id(%barrier3A_55)
    "tpu.region"() ({
      %run_scoped3A_56 = tpu.sem_alloc : memref<!tpu.dma_semaphore, #tpu.memory_space<semaphore_mem>>
      %dma_start3A_57 = arith.constant 64 : i32
      %dma_start3A_58 = tpu.memref_slice %arg7[%arg0, %mul3A_2, %dma_start3A_57] : memref<2x10112x128xf32, #tpu.memory_space<hbm>> -> memref<1x632x64xf32, #tpu.memory_space<hbm>>
      %dma_start3A_59 = tpu.memref_squeeze %dma_start3A_58 : memref<1x632x64xf32, #tpu.memory_space<hbm>> -> memref<632x64xf32, #tpu.memory_space<hbm>>
      %dma_start3A_60 = arith.constant 0 : i32
      %dma_start3A_61 = tpu.memref_slice %arg15[%mul3A_2, %dma_start3A_60] : memref<10112x64xf32, #tpu.memory_space<vmem_shared>> -> memref<632x64xf32, #tpu.memory_space<vmem_shared>>
      tpu.enqueue_dma source(%dma_start3A_61 : memref<632x64xf32, #tpu.memory_space<vmem_shared>>) target(%dma_start3A_59 : memref<632x64xf32, #tpu.memory_space<hbm>>) target_semaphore(%run_scoped3A_56 : memref<!tpu.dma_semaphore, #tpu.memory_space<semaphore_mem>>)
      %dma_wait3A_62 = arith.constant 64 : i32
      %dma_wait3A_63 = tpu.memref_slice %arg7[%arg0, %mul3A_2, %dma_wait3A_62] : memref<2x10112x128xf32, #tpu.memory_space<hbm>> -> memref<1x632x64xf32, #tpu.memory_space<hbm>>
      %dma_wait3A_64 = tpu.memref_squeeze %dma_wait3A_63 : memref<1x632x64xf32, #tpu.memory_space<hbm>> -> memref<632x64xf32, #tpu.memory_space<hbm>>
      %dma_wait3A_65 = arith.constant 0 : i32
      %dma_wait3A_66 = tpu.memref_slice %arg15[%mul3A_2, %dma_wait3A_65] : memref<10112x64xf32, #tpu.memory_space<vmem_shared>> -> memref<632x64xf32, #tpu.memory_space<vmem_shared>>
      tpu.wait_dma2 semaphore(%run_scoped3A_56 : memref<!tpu.dma_semaphore, #tpu.memory_space<semaphore_mem>>) src(%dma_wait3A_66 : memref<632x64xf32, #tpu.memory_space<vmem_shared>>) dst(%dma_wait3A_64 : memref<632x64xf32, #tpu.memory_space<hbm>>)
      tpu.yield
    }) : () -> ()
    return
  }
}

module attributes {stable_mosaic.version = 14 : i64} {
  func.func @body(%arg0: i32, %arg1: memref<1000x128xf32, #tpu.memory_space<vmem>>, %arg2: memref<128x128xf32, #tpu.memory_space<vmem>>, %arg3: memref<128x128xf32, #tpu.memory_space<vmem>>, %arg4: memref<1x128xf32, #tpu.memory_space<vmem>>, %arg5: memref<1000x128xf32, #tpu.memory_space<vmem>>, %arg6: memref<1000x128xf32, #tpu.memory_space<vmem>>) attributes {dimension_semantics = [#tpu.dimension_semantics<arbitrary>], iteration_bounds = array<i64: 10>, scalar_prefetch = 0 : i64, scratch_operands = 0 : i64, tpu.core_type = #tpu.core_type<tc>, window_params = [{transform_indices = @transform_0, window_bounds = array<i64: 1000, 128>}, {pipeline_mode = #tpu.pipeline_mode<synchronous>, transform_indices = @transform_1, window_bounds = array<i64: 128, 128>}, {pipeline_mode = #tpu.pipeline_mode<synchronous>, transform_indices = @transform_2, window_bounds = array<i64: 128, 128>}, {pipeline_mode = #tpu.pipeline_mode<synchronous>, transform_indices = @transform_3, window_bounds = array<i64: 1, 128>}, {transform_indices = @transform_4, window_bounds = array<i64: 1000, 128>}, {transform_indices = @transform_5, window_bounds = array<i64: 1000, 128>}]} {
    %get3A = arith.constant 0 : index
    %get3A_0 = arith.constant 0 : index
    %get3A_1 = vector.load %arg1[%get3A, %get3A_0] : memref<1000x128xf32, #tpu.memory_space<vmem>>, vector<1000x128xf32>
    %get3A_2 = arith.constant 0 : index
    %get3A_3 = arith.constant 0 : index
    %get3A_4 = vector.load %arg2[%get3A_2, %get3A_3] : memref<128x128xf32, #tpu.memory_space<vmem>>, vector<128x128xf32>
    %dot_general3A = arith.constant dense<0.000000e+00> : vector<1000x128xf32>
    %dot_general3A_5 = tpu.matmul %get3A_1, %get3A_4, %dot_general3A {dimension_numbers = #tpu.dot_dimension_numbers<[1], [1], [0], [0], [0, 0, 1, 0], [], []>, transpose_lhs_hint = false} : vector<1000x128xf32>, vector<128x128xf32>, vector<1000x128xf32> -> vector<1000x128xf32>
    %swap3A = arith.constant 0 : index
    %swap3A_6 = arith.constant 0 : index
    %swap3A_7 = vector.load %arg5[%swap3A, %swap3A_6] : memref<1000x128xf32, #tpu.memory_space<vmem>>, vector<1000x128xf32>
    tpu.vector_store %arg5[%swap3A, %swap3A_6], %dot_general3A_5 {strides = array<i32>} : memref<1000x128xf32, #tpu.memory_space<vmem>>, vector<1000x128xf32>,
    %get3A_8 = arith.constant 0 : index
    %get3A_9 = arith.constant 0 : index
    %get3A_10 = vector.load %arg3[%get3A_8, %get3A_9] : memref<128x128xf32, #tpu.memory_space<vmem>>, vector<128x128xf32>
    %dot_general3A_11 = arith.constant dense<0.000000e+00> : vector<1000x128xf32>
    %dot_general3A_12 = tpu.matmul %get3A_1, %get3A_10, %dot_general3A_11 {dimension_numbers = #tpu.dot_dimension_numbers<[1], [1], [0], [0], [0, 0, 1, 0], [], []>, transpose_lhs_hint = false} : vector<1000x128xf32>, vector<128x128xf32>, vector<1000x128xf32> -> vector<1000x128xf32>
    %get3A_13 = arith.constant 0 : index
    %get3A_14 = arith.constant 0 : index
    %get3A_15 = vector.load %arg4[%get3A_13, %get3A_14] : memref<1x128xf32, #tpu.memory_space<vmem>>, vector<1x128xf32>
    %add3A = vector.broadcast %get3A_15 : vector<1x128xf32> to vector<1000x128xf32>
    %add3A_16 = arith.addf %dot_general3A_12, %add3A : vector<1000x128xf32>
    %swap3A_17 = arith.constant 0 : index
    %swap3A_18 = arith.constant 0 : index
    %swap3A_19 = vector.load %arg6[%swap3A_17, %swap3A_18] : memref<1000x128xf32, #tpu.memory_space<vmem>>, vector<1000x128xf32>
    tpu.vector_store %arg6[%swap3A_17, %swap3A_18], %add3A_16 {strides = array<i32>} : memref<1000x128xf32, #tpu.memory_space<vmem>>, vector<1000x128xf32>,
    return
  }
  func.func @transform_0(%arg0: i32) -> (i32, i32) {
    %c0_i32 = arith.constant 0 : i32
    %c0_i32_0 = arith.constant 0 : i32
    return %arg0, %c0_i32 : i32, i32
  }
  func.func @transform_1(%arg0: i32) -> (i32, i32) {
    %c0_i32 = arith.constant 0 : i32
    %c0_i32_0 = arith.constant 0 : i32
    %c0_i32_1 = arith.constant 0 : i32
    return %c0_i32, %c0_i32_0 : i32, i32
  }
  func.func @transform_2(%arg0: i32) -> (i32, i32) {
    %c0_i32 = arith.constant 0 : i32
    %c0_i32_0 = arith.constant 0 : i32
    %c0_i32_1 = arith.constant 0 : i32
    return %c0_i32, %c0_i32_0 : i32, i32
  }
  func.func @transform_3(%arg0: i32) -> (i32, i32) {
    %c0_i32 = arith.constant 0 : i32
    %c0_i32_0 = arith.constant 0 : i32
    %c0_i32_1 = arith.constant 0 : i32
    return %c0_i32, %c0_i32_0 : i32, i32
  }
  func.func @transform_4(%arg0: i32) -> (i32, i32) {
    %c0_i32 = arith.constant 0 : i32
    %c0_i32_0 = arith.constant 0 : i32
    return %arg0, %c0_i32 : i32, i32
  }
  func.func @transform_5(%arg0: i32) -> (i32, i32) {
    %c0_i32 = arith.constant 0 : i32
    %c0_i32_0 = arith.constant 0 : i32
    return %arg0, %c0_i32 : i32, i32
  }
}

module attributes {stable_mosaic.version = 14 : i64} {
  func.func @body(%arg0: i32, %arg1: memref<2x1000x128xf32, #tpu.memory_space<vmem>>, %arg2: memref<2x1000x16xf32, #tpu.memory_space<vmem>>, %arg3: memref<1000x128xf32, #tpu.memory_space<vmem>>, %arg4: memref<128x128xf32, #tpu.memory_space<vmem>>, %arg5: memref<128x128xf32, #tpu.memory_space<vmem>>, %arg6: memref<1x128xf32, #tpu.memory_space<vmem>>, %arg7: memref<1000x128xf32, #tpu.memory_space<vmem>>, %arg8: memref<1000x128xf32, #tpu.memory_space<vmem>>) attributes {dimension_semantics = [#tpu.dimension_semantics<arbitrary>], iteration_bounds = array<i64: 10>, scalar_prefetch = 0 : i64, scratch_operands = 0 : i64, tpu.core_type = #tpu.core_type<tc>, window_params = [{transform_indices = @transform_0, window_bounds = array<i64: 2, 1000, 128>}, {transform_indices = @transform_1, window_bounds = array<i64: 2, 1000, 16>}, {transform_indices = @transform_2, window_bounds = array<i64: 1000, 128>}, {pipeline_mode = #tpu.pipeline_mode<synchronous>, transform_indices = @transform_3, window_bounds = array<i64: 128, 128>}, {pipeline_mode = #tpu.pipeline_mode<synchronous>, transform_indices = @transform_4, window_bounds = array<i64: 128, 128>}, {pipeline_mode = #tpu.pipeline_mode<synchronous>, transform_indices = @transform_5, window_bounds = array<i64: 1, 128>}, {transform_indices = @transform_6, window_bounds = array<i64: 1000, 128>}, {transform_indices = @transform_7, window_bounds = array<i64: 1000, 128>}]} {
    %get3A = arith.constant 0 : index
    %get3A_0 = arith.constant 0 : index
    %get3A_1 = arith.constant 0 : index
    %get3A_2 = vector.load %arg1[%get3A, %get3A_0, %get3A_1] : memref<2x1000x128xf32, #tpu.memory_space<vmem>>, vector<1x1000x128xf32>
    %get3A_3 = vector.shape_cast %get3A_2 : vector<1x1000x128xf32> to vector<1000x128xf32>
    %get3A_4 = arith.constant 1 : index
    %get3A_5 = arith.constant 0 : index
    %get3A_6 = arith.constant 0 : index
    %get3A_7 = vector.load %arg1[%get3A_4, %get3A_5, %get3A_6] : memref<2x1000x128xf32, #tpu.memory_space<vmem>>, vector<1x1000x128xf32>
    %get3A_8 = vector.shape_cast %get3A_7 : vector<1x1000x128xf32> to vector<1000x128xf32>
    %add3A = arith.addf %get3A_3, %get3A_8 : vector<1000x128xf32>
    %get3A_9 = arith.constant 0 : index
    %get3A_10 = arith.constant 0 : index
    %get3A_11 = arith.constant 0 : index
    %get3A_12 = vector.load %arg2[%get3A_9, %get3A_10, %get3A_11] : memref<2x1000x16xf32, #tpu.memory_space<vmem>>, vector<1x1000x1xf32>
    %get3A_13 = vector.shape_cast %get3A_12 : vector<1x1000x1xf32> to vector<1000x1xf32>
    %get3A_14 = arith.constant 1 : index
    %get3A_15 = arith.constant 0 : index
    %get3A_16 = arith.constant 0 : index
    %get3A_17 = vector.load %arg2[%get3A_14, %get3A_15, %get3A_16] : memref<2x1000x16xf32, #tpu.memory_space<vmem>>, vector<1x1000x1xf32>
    %get3A_18 = vector.shape_cast %get3A_17 : vector<1x1000x1xf32> to vector<1000x1xf32>
    %add3A_19 = arith.addf %get3A_13, %get3A_18 : vector<1000x1xf32>
    %max3A = arith.constant 1.000000e+00 : f32
    %max3A_20 = vector.broadcast %max3A : f32 to vector<1000x1xf32>
    %max3A_21 = arith.maximumf %add3A_19, %max3A_20 : vector<1000x1xf32>
    %div3A = vector.broadcast %max3A_21 : vector<1000x1xf32> to vector<1000x128xf32>
    %div3A_22 = arith.divf %add3A, %div3A : vector<1000x128xf32>
    %get3A_23 = arith.constant 0 : index
    %get3A_24 = arith.constant 0 : index
    %get3A_25 = vector.load %arg3[%get3A_23, %get3A_24] : memref<1000x128xf32, #tpu.memory_space<vmem>>, vector<1000x128xf32>
    %add3A_26 = arith.addf %div3A_22, %get3A_25 : vector<1000x128xf32>
    %max3A_27 = arith.constant 0.000000e+00 : f32
    %max3A_28 = vector.broadcast %max3A_27 : f32 to vector<1000x128xf32>
    %max3A_29 = arith.maximumf %add3A_26, %max3A_28 : vector<1000x128xf32>
    %get3A_30 = arith.constant 0 : index
    %get3A_31 = arith.constant 0 : index
    %get3A_32 = vector.load %arg4[%get3A_30, %get3A_31] : memref<128x128xf32, #tpu.memory_space<vmem>>, vector<128x128xf32>
    %dot_general3A = arith.constant dense<0.000000e+00> : vector<1000x128xf32>
    %dot_general3A_33 = tpu.matmul %max3A_29, %get3A_32, %dot_general3A {dimension_numbers = #tpu.dot_dimension_numbers<[1], [1], [0], [0], [0, 0, 1, 0], [], []>, transpose_lhs_hint = false} : vector<1000x128xf32>, vector<128x128xf32>, vector<1000x128xf32> -> vector<1000x128xf32>
    %swap3A = arith.constant 0 : index
    %swap3A_34 = arith.constant 0 : index
    %swap3A_35 = vector.load %arg7[%swap3A, %swap3A_34] : memref<1000x128xf32, #tpu.memory_space<vmem>>, vector<1000x128xf32>
    tpu.vector_store %arg7[%swap3A, %swap3A_34], %dot_general3A_33 {strides = array<i32>} : memref<1000x128xf32, #tpu.memory_space<vmem>>, vector<1000x128xf32>,
    %get3A_36 = arith.constant 0 : index
    %get3A_37 = arith.constant 0 : index
    %get3A_38 = vector.load %arg5[%get3A_36, %get3A_37] : memref<128x128xf32, #tpu.memory_space<vmem>>, vector<128x128xf32>
    %dot_general3A_39 = arith.constant dense<0.000000e+00> : vector<1000x128xf32>
    %dot_general3A_40 = tpu.matmul %max3A_29, %get3A_38, %dot_general3A_39 {dimension_numbers = #tpu.dot_dimension_numbers<[1], [1], [0], [0], [0, 0, 1, 0], [], []>, transpose_lhs_hint = false} : vector<1000x128xf32>, vector<128x128xf32>, vector<1000x128xf32> -> vector<1000x128xf32>
    %get3A_41 = arith.constant 0 : index
    %get3A_42 = arith.constant 0 : index
    %get3A_43 = vector.load %arg6[%get3A_41, %get3A_42] : memref<1x128xf32, #tpu.memory_space<vmem>>, vector<1x128xf32>
    %add3A_44 = vector.broadcast %get3A_43 : vector<1x128xf32> to vector<1000x128xf32>
    %add3A_45 = arith.addf %dot_general3A_40, %add3A_44 : vector<1000x128xf32>
    %swap3A_46 = arith.constant 0 : index
    %swap3A_47 = arith.constant 0 : index
    %swap3A_48 = vector.load %arg8[%swap3A_46, %swap3A_47] : memref<1000x128xf32, #tpu.memory_space<vmem>>, vector<1000x128xf32>
    tpu.vector_store %arg8[%swap3A_46, %swap3A_47], %add3A_45 {strides = array<i32>} : memref<1000x128xf32, #tpu.memory_space<vmem>>, vector<1000x128xf32>,
    return
  }
  func.func @transform_0(%arg0: i32) -> (i32, i32, i32) {
    %c0_i32 = arith.constant 0 : i32
    %c0_i32_0 = arith.constant 0 : i32
    %c0_i32_1 = arith.constant 0 : i32
    return %c0_i32, %arg0, %c0_i32_0 : i32, i32, i32
  }
  func.func @transform_1(%arg0: i32) -> (i32, i32, i32) {
    %c0_i32 = arith.constant 0 : i32
    %c0_i32_0 = arith.constant 0 : i32
    %c0_i32_1 = arith.constant 0 : i32
    return %c0_i32, %arg0, %c0_i32_0 : i32, i32, i32
  }
  func.func @transform_2(%arg0: i32) -> (i32, i32) {
    %c0_i32 = arith.constant 0 : i32
    %c0_i32_0 = arith.constant 0 : i32
    return %arg0, %c0_i32 : i32, i32
  }
  func.func @transform_3(%arg0: i32) -> (i32, i32) {
    %c0_i32 = arith.constant 0 : i32
    %c0_i32_0 = arith.constant 0 : i32
    %c0_i32_1 = arith.constant 0 : i32
    return %c0_i32, %c0_i32_0 : i32, i32
  }
  func.func @transform_4(%arg0: i32) -> (i32, i32) {
    %c0_i32 = arith.constant 0 : i32
    %c0_i32_0 = arith.constant 0 : i32
    %c0_i32_1 = arith.constant 0 : i32
    return %c0_i32, %c0_i32_0 : i32, i32
  }
  func.func @transform_5(%arg0: i32) -> (i32, i32) {
    %c0_i32 = arith.constant 0 : i32
    %c0_i32_0 = arith.constant 0 : i32
    %c0_i32_1 = arith.constant 0 : i32
    return %c0_i32, %c0_i32_0 : i32, i32
  }
  func.func @transform_6(%arg0: i32) -> (i32, i32) {
    %c0_i32 = arith.constant 0 : i32
    %c0_i32_0 = arith.constant 0 : i32
    return %arg0, %c0_i32 : i32, i32
  }
  func.func @transform_7(%arg0: i32) -> (i32, i32) {
    %c0_i32 = arith.constant 0 : i32
    %c0_i32_0 = arith.constant 0 : i32
    return %arg0, %c0_i32 : i32, i32
  }
}

module attributes {stable_mosaic.version = 14 : i64} {
  func.func @body(%arg0: i32, %arg1: memref<2x1000x128xf32, #tpu.memory_space<vmem>>, %arg2: memref<2x1000x16xf32, #tpu.memory_space<vmem>>, %arg3: memref<1000x128xf32, #tpu.memory_space<vmem>>, %arg4: memref<1000x128xf32, #tpu.memory_space<vmem>>) attributes {dimension_semantics = [#tpu.dimension_semantics<arbitrary>], iteration_bounds = array<i64: 10>, scalar_prefetch = 0 : i64, scratch_operands = 0 : i64, tpu.core_type = #tpu.core_type<tc>, window_params = [{transform_indices = @transform_0, window_bounds = array<i64: 2, 1000, 128>}, {transform_indices = @transform_1, window_bounds = array<i64: 2, 1000, 16>}, {transform_indices = @transform_2, window_bounds = array<i64: 1000, 128>}, {transform_indices = @transform_3, window_bounds = array<i64: 1000, 128>}]} {
    %get3A = arith.constant 0 : index
    %get3A_0 = arith.constant 0 : index
    %get3A_1 = arith.constant 0 : index
    %get3A_2 = vector.load %arg1[%get3A, %get3A_0, %get3A_1] : memref<2x1000x128xf32, #tpu.memory_space<vmem>>, vector<1x1000x128xf32>
    %get3A_3 = vector.shape_cast %get3A_2 : vector<1x1000x128xf32> to vector<1000x128xf32>
    %get3A_4 = arith.constant 1 : index
    %get3A_5 = arith.constant 0 : index
    %get3A_6 = arith.constant 0 : index
    %get3A_7 = vector.load %arg1[%get3A_4, %get3A_5, %get3A_6] : memref<2x1000x128xf32, #tpu.memory_space<vmem>>, vector<1x1000x128xf32>
    %get3A_8 = vector.shape_cast %get3A_7 : vector<1x1000x128xf32> to vector<1000x128xf32>
    %add3A = arith.addf %get3A_3, %get3A_8 : vector<1000x128xf32>
    %get3A_9 = arith.constant 0 : index
    %get3A_10 = arith.constant 0 : index
    %get3A_11 = arith.constant 0 : index
    %get3A_12 = vector.load %arg2[%get3A_9, %get3A_10, %get3A_11] : memref<2x1000x16xf32, #tpu.memory_space<vmem>>, vector<1x1000x1xf32>
    %get3A_13 = vector.shape_cast %get3A_12 : vector<1x1000x1xf32> to vector<1000x1xf32>
    %get3A_14 = arith.constant 1 : index
    %get3A_15 = arith.constant 0 : index
    %get3A_16 = arith.constant 0 : index
    %get3A_17 = vector.load %arg2[%get3A_14, %get3A_15, %get3A_16] : memref<2x1000x16xf32, #tpu.memory_space<vmem>>, vector<1x1000x1xf32>
    %get3A_18 = vector.shape_cast %get3A_17 : vector<1x1000x1xf32> to vector<1000x1xf32>
    %add3A_19 = arith.addf %get3A_13, %get3A_18 : vector<1000x1xf32>
    %max3A = arith.constant 1.000000e+00 : f32
    %max3A_20 = vector.broadcast %max3A : f32 to vector<1000x1xf32>
    %max3A_21 = arith.maximumf %add3A_19, %max3A_20 : vector<1000x1xf32>
    %div3A = vector.broadcast %max3A_21 : vector<1000x1xf32> to vector<1000x128xf32>
    %div3A_22 = arith.divf %add3A, %div3A : vector<1000x128xf32>
    %get3A_23 = arith.constant 0 : index
    %get3A_24 = arith.constant 0 : index
    %get3A_25 = vector.load %arg3[%get3A_23, %get3A_24] : memref<1000x128xf32, #tpu.memory_space<vmem>>, vector<1000x128xf32>
    %add3A_26 = arith.addf %div3A_22, %get3A_25 : vector<1000x128xf32>
    %swap3A = arith.constant 0 : index
    %swap3A_27 = arith.constant 0 : index
    %swap3A_28 = vector.load %arg4[%swap3A, %swap3A_27] : memref<1000x128xf32, #tpu.memory_space<vmem>>, vector<1000x128xf32>
    tpu.vector_store %arg4[%swap3A, %swap3A_27], %add3A_26 {strides = array<i32>} : memref<1000x128xf32, #tpu.memory_space<vmem>>, vector<1000x128xf32>,
    return
  }
  func.func @transform_0(%arg0: i32) -> (i32, i32, i32) {
    %c0_i32 = arith.constant 0 : i32
    %c0_i32_0 = arith.constant 0 : i32
    %c0_i32_1 = arith.constant 0 : i32
    return %c0_i32, %arg0, %c0_i32_0 : i32, i32, i32
  }
  func.func @transform_1(%arg0: i32) -> (i32, i32, i32) {
    %c0_i32 = arith.constant 0 : i32
    %c0_i32_0 = arith.constant 0 : i32
    %c0_i32_1 = arith.constant 0 : i32
    return %c0_i32, %arg0, %c0_i32_0 : i32, i32, i32
  }
  func.func @transform_2(%arg0: i32) -> (i32, i32) {
    %c0_i32 = arith.constant 0 : i32
    %c0_i32_0 = arith.constant 0 : i32
    return %arg0, %c0_i32 : i32, i32
  }
  func.func @transform_3(%arg0: i32) -> (i32, i32) {
    %c0_i32 = arith.constant 0 : i32
    %c0_i32_0 = arith.constant 0 : i32
    return %arg0, %c0_i32 : i32, i32
  }
}

</mosaic_0001>

<sc_bundles>
// kernel: kernel.11.cloned.1.call-start
scs
__scs_entry_jumppad:
0x0: {  	(pc) =	sbr.rel $0x88, $3  }
0x1: {  	(tag) =	ssettag $0x0;
	lr =	simm.s32 $0x1  }
0x2: {  	[smem:$0x3F99] =	sst lr;
	_ =	strace $0xD0000000  }
0x3: {  	_ = 	snop  }
0x4: {  	_ = 	snop  }
0x5: {  	_ = 	snop  }
0x6: {  	_ = 	snop  }
0x7: {  	_ = 	snop  }
__scs_overlays_trampoline_lowered:
0x8: {  	[smem:$0x3FA8] =	sst s0  }
0x9: {  	[smem:$0x3FA9] =	sst s1  }
0xa: {  	[smem:$0x3FAA] =	sst s2  }
0xb: {  	[smem:$0x3FAB] =	sst s3  }
0xc: {  	[smem:$0x3FAC] =	sst s4  }
0xd: {  	[smem:$0x3FAD] =	sst s5  }
0xe: {  	[smem:$0x3FAE] =	sst s6  }
0xf: {  	[smem:$0x3FAF] =	sst s7  }
0x10: {  	[smem:$0x3FB0] =	sst s8  }
0x11: {  	[smem:$0x3FB1] =	sst s9;
	s0 =	simm.s32 @!p0 $0x0  }
0x12: {  	s1 =	sld [smem:$0x3F97];
	s0 =	simm.s32 @p0 $0x1  }
0x13: {  	[smem:$0x3FB2] =	sst s0;
	s0 =	simm.s32 @!p1 $0x0  }
0x14: {  	s2 =	sld [smem:$0x3F96];
	s0 =	simm.s32 @p1 $0x1  }
0x15: {  	[smem:$0x3FB3] =	sst s0;
	s0 =	simm.s32 @!p2 $0x0  }
0x16: {  	s3 =	sld [smem:$0x3FDB];
	s0 =	simm.s32 @p2 $0x1  }
0x17: {  	s4 =	simm.s32 $0x1BF5;
	[smem:$0x3FB5] =	sst s0  }
0x18: {  	s0 =	sld [smem:$0x3F98];
	_ =	swait.ge [sflag:s4], $0x0  }
0x19: {  	s7 =	sld [smem:$0x3F99]  }
0x1a: {  	s8 =	sadd.s32 $0xFFFFE003, lr  }
0x1b: {  	s9 =	sadd.s32 $0xFFFFFEF7, lr;
	s5 =	simm.s32 $0xFFFFFFFF;
	p2 =	slt.u32 s8, $0xFFFFF086  }
0x1c: {  	p1 =	slt.u32 s9, $0xF7A;
	s5 =	simm.s32 @!p2 $0x0  }
0x1d: {  	s5 =	simm.s32 @p1 $0x1;
	p0 =	seq.s32 s7, s2  }
0x1e: {  	s7 =	smul.u32 @!p0 $0xF7A, s2;
	p2 =	seq.s32 @!p0 s5, $0x0  }
0x1f: {  	s9 =	smul.u32 $0xF7A, s1;
	s8 =	simm.s32 @!p0 $0x1BF5;
	p2 =	por !p2, p0  }
0x20: {  	[sflag:s8] =	ssyncset.s32 @!p0 $0xFFFFF086;
	s6 =	sadd.s32 @!p0 s3, s7;
	s7 =	simm.s32 @!p0 $0x108  }
0x21: {  	s3 =	sadd.s32 s3, s9;
	s6 =	sadd.s32 @!p0 $0x88, s6;
	s7 =	simm.s32 @p2 $0x1082  }
0x22: {  	[simem:s7], [sflag:s8] =	dma.local @!p0 [hbm:s6], $0xF7A  }
0x23: {  	s9 =	sor.u32 $0xD0000000, s2;
	s6 =	simm.s32 $0x108;
	_ =	swait.ge @!p0 [sflag:s8], $0x0  }
0x24: {  	s3 =	sadd.s32 $0x88, s3;
	s6 =	simm.s32 @!p1 $0x1082;
	[sflag:s4] =	ssyncset.s32 $0xFFFFF086  }
0x25: {  	[simem:s6], [sflag:s4] =	dma.local [hbm:s3], $0xF7A  }
0x26: {  	[smem:$0x3F99] =	sst s1;
	(tag) =	ssettag s2;
	_ =	strace s9  }
0x27: {  	s1 =	sld [smem:$0x3FA9]  }
0x28: {  	s2 =	sld [smem:$0x3FAA]  }
0x29: {  	s4 =	sld [smem:$0x3FAC]  }
0x2a: {  	p0 =	seq.s32 s5, $0x0;
	s5 =	sld [smem:$0x3FAD]  }
0x2b: {  	s6 =	sld [smem:$0x3FAE]  }
0x2c: {  	s7 =	sld [smem:$0x3FAF]  }
0x2d: {  	s3 =	simm.s32 $0x108;
	s8 =	sld [smem:$0x3FB0]  }
0x2e: {  	s3 =	simm.s32 @!p0 $0x1082;
	s9 =	sld [smem:$0x3FB1]  }
0x2f: {  	lr =	sadd.s32 s0, s3;
	s0 =	sld [smem:$0x3FA8]  }
0x30: {  	s3 =	sld [smem:$0x3FAB]  }
0x31: {  	[smem:$0x3FB4] =	sst s10  }
0x32: {  	s10 =	sld [smem:$0x3FB2];
	_ =	sdelay $0x3  }
0x33: {  	p0 =	seq.s32 s10, $0x1;
	s10 =	sld [smem:$0x3FB4];
	_ =	sdelay $0x3  }
0x34: {  	[smem:$0x3FB4] =	sst s10  }
0x35: {  	s10 =	sld [smem:$0x3FB3];
	_ =	sdelay $0x3  }
0x36: {  	p1 =	seq.s32 s10, $0x1;
	s10 =	sld [smem:$0x3FB4];
	_ =	sdelay $0x3  }
0x37: {  	[smem:$0x3FB4] =	sst s10  }
0x38: {  	s10 =	sld [smem:$0x3FB5]  }
0x39: {  	_ = 	snop;
	(pc) =	sbr.ind lr, $3  }
0x3a: {  	_ = 	snop  }
0x3b: {  	_ = 	snop  }
0x3c: {  	p2 =	seq.s32 s10, $0x1;
	s10 =	sld [smem:$0x3FB4]  }
0x3d: {  	_ =	shalt  }
0x3e: {  	_ =	shalt  }
0x3f: {  	_ =	shalt  }
0x40: {  	_ =	shalt  }
0x41: {  	_ =	shalt  }
0x42: {  	_ =	shalt  }
0x43: {  	_ =	shalt  }
0x44: {  	_ =	shalt  }
0x45: {  	_ =	shalt  }
0x46: {  	_ =	shalt  }
0x47: {  	_ =	shalt  }
0x48: {  	_ =	shalt  }
0x49: {  	_ =	shalt  }
0x4a: {  	_ =	shalt  }
0x4b: {  	_ =	shalt  }
0x4c: {  	_ =	shalt  }
0x4d: {  	_ =	shalt  }
0x4e: {  	_ =	shalt  }
0x4f: {  	_ =	shalt  }
0x50: {  	_ =	shalt  }
0x51: {  	_ =	shalt  }
0x52: {  	_ =	shalt  }
0x53: {  	_ =	shalt  }
0x54: {  	_ =	shalt  }
0x55: {  	_ =	shalt  }
0x56: {  	_ =	shalt  }
0x57: {  	_ =	shalt  }
0x58: {  	_ =	shalt  }
0x59: {  	_ =	shalt  }
0x5a: {  	_ =	shalt  }
0x5b: {  	_ =	shalt  }
0x5c: {  	_ =	shalt  }
0x5d: {  	_ =	shalt  }
0x5e: {  	_ =	shalt  }
0x5f: {  	_ =	shalt  }
0x60: {  	_ =	shalt  }
0x61: {  	_ =	shalt  }
0x62: {  	_ =	shalt  }
0x63: {  	_ =	shalt  }
0x64: {  	_ =	shalt  }
0x65: {  	_ =	shalt  }
0x66: {  	_ =	shalt  }
0x67: {  	_ =	shalt  }
0x68: {  	_ =	shalt  }
0x69: {  	_ =	shalt  }
0x6a: {  	_ =	shalt  }
0x6b: {  	_ =	shalt  }
0x6c: {  	_ =	shalt  }
0x6d: {  	_ =	shalt  }
0x6e: {  	_ =	shalt  }
0x6f: {  	_ =	shalt  }
0x70: {  	_ =	shalt  }
0x71: {  	_ =	shalt  }
0x72: {  	_ =	shalt  }
0x73: {  	_ =	shalt  }
0x74: {  	_ =	shalt  }
0x75: {  	_ =	shalt  }
0x76: {  	_ =	shalt  }
0x77: {  	_ =	shalt  }
0x78: {  	_ =	shalt  }
0x79: {  	_ =	shalt  }
0x7a: {  	_ =	shalt  }
0x7b: {  	_ =	shalt  }
0x7c: {  	_ =	shalt  }
0x7d: {  	_ =	shalt  }
0x7e: {  	_ =	shalt  }
0x7f: {  	_ =	shalt  }
0x80: {  	_ =	shalt  }
0x81: {  	_ =	shalt  }
0x82: {  	_ =	shalt  }
0x83: {  	_ =	shalt  }
0x84: {  	_ =	shalt  }
0x85: {  	_ =	shalt  }
0x86: {  	_ =	shalt  }
0x87: {  	_ =	shalt  }
.Lfunc_end0:
.L_simem_size_0:
called_computation.1_lowered:
.L_overlay_start_0:
0x88: {  	s2 =	sld [smem:$0x3FD9]  }
0x89: {  	s3 =	sld [smem:$0x3FFE];
	_ =	sdelay $0x1  }
0x8a: {  	s1 =	srdreg.scid  }
0x8b: {  	s0 =	sand.u32 $0x1, s1  }
0x8c: {  	s17 =	sshll.u32 s0, $0xA;
	s2 =	sadd.s32 s3, s2  }
0x8d: {  	s2 =	sadd.s32 s2, s17  }
0x8e: {  	[smem:$0x3FC0] =	sst s2  }
0x8f: {  	_ = 	snop  }
0x90: {  	s18 =	sld [smem:$0x3FD0];
	(tm) =	ssettm $0x1  }
0x91: {  	s19 =	sld [smem:$0x3FFB];
	_ =	sdelay $0x3  }
0x92: {  	_ =	strace s19  }
0x93: {  	s2 =	sld [smem:$0x3FFC];
	_ =	sdelay $0x3  }
0x94: {  	_ =	strace s2  }
0x95: {  	s2 =	sld [smem:$0x3FFD];
	_ =	sdelay $0x3  }
0x96: {  	_ =	strace s2  }
0x97: {  	_ =	strace $0x8FFFFFFF  }
0x98: {  	s20 =	sld [smem:$0x3FDB];
	_ =	sdelay $0x1  }
0x99: {  	s4 =	simm.s32 $_scs_section_size  }
0x9a: {  	s5 =	simm.s32 $_size__tile_overlayer_lowered;
	s6 =	simm.s32 $_tile_overlayer_lowered  }
0x9b: {  	s7 =	simm.s32 $0x1BFF;
	s21 =	sshll.u32 s6, $0x1;
	s4 =	sadd.s32 s4, s20  }
0x9c: {  	s22 =	simm.s32 $0x0;
	s5 =	sshll.u32 s5, $0x1;
	s6 =	sadd.s32 s21, s4  }
0x9d: {  	[timem:s22], [sflag:s7] =	dma.local [hbm:s6], s5  }
0x9e: {  	_ =	swait.ge [sflag:s7], s5  }
0x9f: {  	s5 =	ssub.s32 $0x0, s5;
	[sflag:s7] =	ssyncset.done $0x0  }
0xa0: {  	[sflag:s7] =	ssyncadd.s32 s5;
	_ =	sdelay $0x1  }
0xa1: {  	s23 =	simm.s32 $0x1B8B  }
0xa2: {  	_ =	swait.ge [sflag:s23], $0x1  }
0xa3: {  	[sflag:s23] =	ssyncset.done $0x0  }
0xa4: {  	[sflag:s23] =	ssyncadd.s32 $0xFFFFFFFF  }
0xa5: {  	s5 =	sld [smem:$0x0]  }
0xa6: {  	s6 =	sand.u32 $0xFFFFFFFE, s1  }
0xa7: {  	p0 =	sne.s32 s1, s6  }
0xa8: {  	s6 =	sshll.u32 @p0 s6, $0xE  }
0xa9: {  	s6 =	sadd.s32 @p0 $0x11B8D, s6;
	s7 =	sshll.u32 @p0 s5, $0x11  }
0xaa: {  	s6 =	sor.u32 @p0 s7, s6  }
0xab: {  	[sflag:s6] =	ssyncadd.remote.s32 @p0 $0x1;
	_ =	sdelay $0x1  }
0xac: {  	s6 =	simm.s32 @p0 $0x1B8D  }
0xad: {  	_ =	swait.eq @p0 [sflag:s6], $0x1  }
0xae: {  	[sflag:s6] =	ssyncadd.s32 @p0 $0xFFFFFFFF  }
0xaf: {  	s7 =	sshll.u32 @!p0 s1, $0xE  }
0xb0: {  	s7 =	sor.u32 @!p0 $0x4000, s7;
	s6 =	simm.s32 @!p0 $0x1B8D  }
0xb1: {  	s5 =	sshll.u32 @!p0 s5, $0x11;
	s7 =	sadd.s32 @!p0 $0x11B8D, s7;
	_ =	swait.eq @!p0 [sflag:s6], $0x1  }
0xb2: {  	s5 =	sor.u32 @!p0 s5, s7;
	[sflag:s6] =	ssyncadd.s32 @!p0 $0xFFFFFFFF  }
0xb3: {  	s25 =	simm.s32 $0x1B8E;
	s24 =	sld [smem:$0x3FFE];
	[sflag:s5] =	ssyncadd.remote.s32 @!p0 $0x1  }
0xb4: {  	s26 =	simm.s32 $execute0_lowered;
	[smem:$0x3FD2] =	sst s25  }
0xb5: {  	s6 =	sshll.u32 s26, $0x1;
	_ =	strace $0x80000049;
	[dreg:$0x1] =	wrdreg $0xFFFFFFFF  }
0xb6: {  	s28 =	simm.s32 $_size_execute0_lowered;
	s4 =	sadd.s32 s4, s6;
	[dreg:$0x0] =	wrdreg $0x0  }
0xb7: {  	s6 =	sshll.u32 s28, $0x1;
	[dreg:$0x2] =	wrdreg s4  }
0xb8: {  	[dreg:$0x3] =	wrdreg s6  }
0xb9: {  	[dreg:$0x4] =	wrdreg $0xC0  }
0xba: {  	_ =	task [dreg:s22], $0x5FFFF  }
0xbb: {  	[dreg:$0x1] =	wrdreg $0xFFFFFFFF  }
0xbc: {  	[dreg:$0x0] =	wrdreg $0x60  }
0xbd: {  	[dreg:$0x2] =	wrdreg s18  }
0xbe: {  	[dreg:$0x3] =	wrdreg s24  }
0xbf: {  	[dreg:$0x4] =	wrdreg $0x13D300  }
0xc0: {  	[dreg:$0x5] =	wrdreg $0xA  }
0xc1: {  	_ =	task.clear_ibuf [dreg:s22], $0x6FFFF;
	_ =	strace $0x90000049  }
0xc2: {  	s29 =	simm.s32 $0xA;
	_ =	strace $0x8000004B  }
0xc3: {  	_ =	swait.ge [sflag:s29], $0x1  }
0xc4: {  	[sflag:s29] =	ssyncadd.s32 $0xFFFFFFFF  }
0xc5: {  	_ =	strace $0x9000004B  }
0xc6: {  	_ =	sfence  }
0xc7: {  	s30 =	sld [smem:$0x0];
	_ =	sdelay $0x2  }
0xc8: {  	s31 =	sshll.u32 s1, $0xD;
	s1 =	sshrl.u32 s1, $0x2  }
0xc9: {  	s4 =	sand.u32 $0x4000, s31;
	s1 =	sadd.s32 s1, s30  }
0xca: {  	s0 =	sor.u32 s4, s0;
	s1 =	sshll.u32 s1, $0x11  }
0xcb: {  	s0 =	sor.u32 s1, s0  }
0xcc: {  	s0 =	sadd.s32 $0x8F2B, s0  }
0xcd: {  	[sflag:s0] =	ssyncadd.remote.s32 $0x1  }
0xce: {  	_ =	sfence.sel $0xFFFF  }
0xcf: {  	[dreg:$0x0] =	wrdreg $0xFFFFFFFF;
	(pc) =	sbr.abs _section_cstart, $3  }
0xd0: {  	[dreg:$0x1] =	wrdreg $0xFFFFFFFF  }
0xd1: {  	_ =	task.clear_ibuf [dreg:s22], $0x2FFFF;
	_ =	strace $0x9FFFFFFF  }
0xd2: {  	(tm) =	ssettm $0x7FFFFFFF  }
0xd3: {  	_ =	shalt  }
tec
execute0_lowered:
.L_overlay_start_1:
0x0: {  	(tag) =	ssettag $0x1  }
0x1: {  	s2 =	rddreg [dreg:$0x0]  }
0x2: {  	s0 =	srdreg.scid;
	s5 =	rddreg [dreg:$0x1]  }
0x3: {  	s14 =	stileid.u32;
	s3 =	rddreg [dreg:$0x2];
	s4 =	simm.s32 $0x0  }
0x4: {  	s12 =	simm.s32 $0x3;
	s13 =	simm.s32 $0x2710;
	s15 =	simm.s32 $0x190  }
0x5: {  	s16 =	simm.s32 $0x7530;
	s17 =	simm.s32 $0xD930;
	s20 =	simm.s32 $0x1  }
0x6: {  	s21 =	simm.s32 $0x2;
	s22 =	simm.s32 $0x7080;
	s23 =	simm.s32 $0x2580  }
0x7: {  	s28 =	simm.s32 $0x8;
	s29 =	simm.s32 $0x28A0;
	s30 =	simm.s32 $0x4C90  }
0x8: {  	s31 =	simm.s32 $0x0;
	s0 =	sand.u32 $0x1, s0;
	s8 =	smul.u32 $0x9E00, s14  }
0x9: {  	[smem:$0x7FF] =	sst s4;
	s7 =	smul.u32 $0x13C00, s14;
	s26 =	sshll.u32 s14, $0x6  }
0xa: {  	s1 =	sshll.u32 s0, $0x4;
	s6 =	smul.u32 $0x13C000, s0;
	_ =	strace $0x8000004A  }
0xb: {  	s0 =	ssub.s32 $0x2, s0;
	s18 =	sor.u32 $0x1C03, s26;
	s26 =	simm.s32 $0x10  }
0xc: {  	s1 =	sor.u32 s14, s1;
	s9 =	sshrl.u32 s8, $0x3;
	s24 =	sshrl.u32 s0, $0x1  }
0xd: {  	s25 =	sadd.s32 s8, s3;
	s1 =	smul.u32 $0x4E2, s1;
	s6 =	sadd.s32 s7, s6  }
0xe: {  	s9 =	sadd.s32 s9, s5;
	s0 =	ssub.s32 s0, s24;
	s19 =	sshrl.u32 s25, $0x3  }
0xf: {  	s24 =	simm.s32 $0x7210;
	s25 =	simm.s32 $0x73A0;
	s6 =	sshrl.u32 s6, $0x3  }
0x10: {  	s8 =	sadd.s32 $0x2F000, s9;
	s11 =	smax.u32 s0, $0x1;
	s1 =	sadd.s32 s1, s5  }
0x11: {  	s10 =	sadd.s32 s6, s5;
	s5 =	sadd.s32 $0xC200, s1;
	s6 =	sadd.s32 $0x25200, s1  }
0x12: {  	s7 =	sadd.s32 $0x2400, s1;
	s9 =	sadd.s32 $0x42C00, s10;
	s10 =	sadd.s32 $0x42C08, s10  }
.LBB2_1:
0x13: {  	[tilespmem:s4], [sflag:$0x3] =	stream.linear.gather [hbm4b:s5+s4], $0x2710, $0x38;
	[tilespmem:$0x1DB30] =	vst v63  }
0x14: {  	_ =	swait.ge [sflag:s12], $0x2710  }
0x15: {  	[sflag:s12] =	ssyncset.done $0x0  }
0x16: {  	[sflag:s12] =	ssyncadd.s32 $0xFFFFD8F0  }
0x17: {  	[tilespmem:s13], [sflag:$0x3] =	stream.linear.gather [hbm4b:s6+s4], $0x2710, $0x38;
	[tilespmem:$0x1DB30] =	vst v63  }
0x18: {  	_ =	swait.ge [sflag:s12], $0x2710  }
0x19: {  	[sflag:s12] =	ssyncset.done $0x0  }
0x1a: {  	s0 =	simm.s32 $0x4E20;
	[sflag:s12] =	ssyncadd.s32 $0xFFFFD8F0  }
0x1b: {  	[tilespmem:s0], [sflag:$0x3] =	stream.linear.gather [hbm4b:s7+s4], $0x2710, $0x38;
	[tilespmem:$0x1DB30] =	vst v63  }
0x1c: {  	_ =	swait.ge [sflag:s12], $0x2710  }
0x1d: {  	[sflag:s12] =	ssyncset.done $0x0  }
0x1e: {  	[sflag:s12] =	ssyncadd.s32 $0xFFFFD8F0  }
0x1f: {  	[tilespmem:s16], [sflag:$0x1] =	stream.indirect.gather [hbm4b:s2+s15], $0x40, s4, s15, $0xb8;
	[tilespmem:$0x1DB30] =	vst v63  }
0x20: {  	_ = 	snop  }
0x21: {  	[tilespmem:s17], [sflag:$0x2] =	stream.indirect.gather [hbm4b:s2+s15], $0x40, s15, s15, $0xb8;
	[tilespmem:$0x1DB30] =	vst v63  }
0x22: {  	[spmem:s19], [sflag:s18] =	dma.local [hbm:s8], $0x13C0  }
0x23: {  	_ =	swait.ge [sflag:s12], $0x13C0  }
0x24: {  	[sflag:s12] =	ssyncset.done $0x0  }
0x25: {  	[sflag:s12] =	ssyncadd.s32 $0xFFFFEC40  }
0x26: {  	[bflag:$0x0] =	sbarrier.arrive $0xFFFF  }
0x27: {  	_ =	swait.ge [sflag:s20], $0x6400  }
0x28: {  	[sflag:s20] =	ssyncset.done $0x0  }
0x29: {  	s14 =	simm.s32 $0x4E20;
	[sflag:s20] =	ssyncadd.s32 $0xFFFF9C00  }
0x2a: {  	[spmem:s3] =	stream.indirect.scatter.add.f32 [tilespmem:s16], [sflag:$0x3], $0x40, s14, s15, $0xb8;
	[tilespmem:$0x1DB30] =	vst v63  }
0x2b: {  	_ =	swait.ge [sflag:s12], $0x6400  }
0x2c: {  	[sflag:s12] =	ssyncset.done $0x0  }
0x2d: {  	s1 =	simm.s32 $0x320;
	[sflag:s12] =	ssyncadd.s32 $0xFFFF9C00  }
0x2e: {  	[tilespmem:s16], [sflag:$0x1] =	stream.indirect.gather [hbm4b:s2+s15], $0x40, s1, s15, $0xb8;
	[tilespmem:$0x1DB30] =	vst v63  }
0x2f: {  	_ =	swait.ge [sflag:s21], $0x6400  }
0x30: {  	[sflag:s21] =	ssyncset.done $0x0  }
0x31: {  	s14 =	simm.s32 $0x4FB0;
	[sflag:s21] =	ssyncadd.s32 $0xFFFF9C00  }
0x32: {  	[spmem:s3] =	stream.indirect.scatter.add.f32 [tilespmem:s17], [sflag:$0x3], $0x40, s14, s15, $0xb8;
	[tilespmem:$0x1DB30] =	vst v63  }
0x33: {  	_ =	swait.ge [sflag:s12], $0x6400  }
0x34: {  	[sflag:s12] =	ssyncset.done $0x0  }
0x35: {  	s0 =	simm.s32 $0x4B0;
	s1 =	simm.s32 $0xC80;
	[sflag:s12] =	ssyncadd.s32 $0xFFFF9C00  }
.LBB2_2:
0x36: {  	[tilespmem:s17], [sflag:$0x2] =	stream.indirect.gather [hbm4b:s2+s15], $0x40, s0, s15, $0xb8;
	[tilespmem:$0x1DB30] =	vst v63  }
0x37: {  	s0 =	smov.u32 s1  }
0x38: {  	p0 =	sne.s32 s1, $0x7D00;
	s1 =	sadd.s32 $0xC80, s1;
	_ =	swait.ge [sflag:s20], $0x6400  }
0x39: {  	s0 =	sshra.s32 s0, $0x2;
	[sflag:s20] =	ssyncset.done $0x0  }
0x3a: {  	s14 =	sadd.s32 $0x4E20, s0;
	[sflag:s20] =	ssyncadd.s32 $0xFFFF9C00  }
0x3b: {  	[spmem:s3] =	stream.indirect.scatter.add.f32 [tilespmem:s16], [sflag:$0x3], $0x40, s14, s15, $0xb8;
	[tilespmem:$0x1DB30] =	vst v63  }
0x3c: {  	_ =	swait.ge [sflag:s12], $0x6400  }
0x3d: {  	[sflag:s12] =	ssyncset.done $0x0  }
0x3e: {  	s14 =	sadd.s32 $0x320, s0;
	[sflag:s12] =	ssyncadd.s32 $0xFFFF9C00  }
0x3f: {  	[tilespmem:s16], [sflag:$0x1] =	stream.indirect.gather [hbm4b:s2+s15], $0x40, s14, s15, $0xb8;
	[tilespmem:$0x1DB30] =	vst v63  }
0x40: {  	_ =	swait.ge [sflag:s21], $0x6400  }
0x41: {  	[sflag:s21] =	ssyncset.done $0x0  }
.Ltmp0:
0x42: {  	s14 =	sadd.s32 $0x4FB0, s0;
	[sflag:s21] =	ssyncadd.s32 $0xFFFF9C00;
	(pc) =	sbr.rel @p0 .LBB2_2-.Ltmp0, $4  }
0x43: {  	[spmem:s3] =	stream.indirect.scatter.add.f32 [tilespmem:s17], [sflag:$0x3], $0x40, s14, s15, $0xb8;
	[tilespmem:$0x1DB30] =	vst v63  }
0x44: {  	_ =	swait.ge [sflag:s12], $0x6400  }
0x45: {  	[sflag:s12] =	ssyncset.done $0x0  }
0x46: {  	s0 =	sadd.s32 $0x4B0, s0;
	[sflag:s12] =	ssyncadd.s32 $0xFFFF9C00  }
0x47: {  	[tilespmem:s17], [sflag:$0x2] =	stream.indirect.gather [hbm4b:s2+s15], $0x40, s0, s15, $0xb8;
	[tilespmem:$0x1DB30] =	vst v63  }
0x48: {  	_ =	swait.ge [sflag:s20], $0x6400  }
0x49: {  	[sflag:s20] =	ssyncset.done $0x0  }
0x4a: {  	[sflag:s20] =	ssyncadd.s32 $0xFFFF9C00  }
0x4b: {  	[spmem:s3] =	stream.indirect.scatter.add.f32 [tilespmem:s16], [sflag:$0x3], $0x40, s22, s15, $0xb8;
	[tilespmem:$0x1DB30] =	vst v63  }
0x4c: {  	_ =	swait.ge [sflag:s12], $0x6400  }
0x4d: {  	[sflag:s12] =	ssyncset.done $0x0  }
0x4e: {  	[sflag:s12] =	ssyncadd.s32 $0xFFFF9C00  }
0x4f: {  	[tilespmem:s16], [sflag:$0x1] =	stream.indirect.gather [hbm4b:s2+s15], $0x40, s23, s15, $0xb8;
	[tilespmem:$0x1DB30] =	vst v63  }
0x50: {  	_ =	swait.ge [sflag:s21], $0x6400  }
0x51: {  	[sflag:s21] =	ssyncset.done $0x0  }
0x52: {  	[sflag:s21] =	ssyncadd.s32 $0xFFFF9C00  }
0x53: {  	[spmem:s3] =	stream.indirect.scatter.add.f32 [tilespmem:s17], [sflag:$0x3], $0x40, s24, s15, $0xb8;
	[tilespmem:$0x1DB30] =	vst v63  }
0x54: {  	_ =	swait.ge [sflag:s12], $0x6400  }
0x55: {  	[sflag:s12] =	ssyncset.done $0x0  }
0x56: {  	[sflag:s12] =	ssyncadd.s32 $0xFFFF9C00  }
0x57: {  	_ =	swait.ge [sflag:s20], $0x6400  }
0x58: {  	[sflag:s20] =	ssyncset.done $0x0  }
0x59: {  	[sflag:s20] =	ssyncadd.s32 $0xFFFF9C00  }
0x5a: {  	[spmem:s3] =	stream.indirect.scatter.add.f32 [tilespmem:s16], [sflag:$0x3], $0x40, s25, s15, $0xb8;
	[tilespmem:$0x1DB30] =	vst v63  }
0x5b: {  	_ =	swait.ge [sflag:s12], $0x6400  }
0x5c: {  	[sflag:s12] =	ssyncset.done $0x0  }
0x5d: {  	[sflag:s12] =	ssyncadd.s32 $0xFFFF9C00  }
0x5e: {  	[bflag:$0x0] =	sbarrier.arrive $0xFFFF  }
0x5f: {  	[hbm:s9@s26], [sflag:s18] =	dma.strided [spmem:s19@s28], $0x13C0, s20, $0x8   }
0x60: {  	_ =	swait.ge [sflag:s12], $0x13C0  }
0x61: {  	[sflag:s12] =	ssyncset.done $0x0  }
0x62: {  	[sflag:s12] =	ssyncadd.s32 $0xFFFFEC40  }
0x63: {  	[tilespmem:s16], [sflag:$0x1] =	stream.indirect.gather [hbm4b:s2+s15], $0x40, s13, s15, $0xb8;
	[tilespmem:$0x1DB30] =	vst v63  }
0x64: {  	_ = 	snop  }
0x65: {  	[tilespmem:s17], [sflag:$0x2] =	stream.indirect.gather [hbm4b:s2+s15], $0x40, s29, s15, $0xb8;
	[tilespmem:$0x1DB30] =	vst v63  }
0x66: {  	[spmem:s19], [sflag:s18] =	dma.local [hbm:s8], $0x13C0  }
0x67: {  	_ =	swait.ge [sflag:s12], $0x13C0  }
0x68: {  	[sflag:s12] =	ssyncset.done $0x0  }
0x69: {  	[sflag:s12] =	ssyncadd.s32 $0xFFFFEC40  }
0x6a: {  	[bflag:$0x0] =	sbarrier.arrive $0xFFFF  }
0x6b: {  	_ =	swait.ge [sflag:s20], $0x6400  }
0x6c: {  	[sflag:s20] =	ssyncset.done $0x0  }
0x6d: {  	s14 =	simm.s32 $0x4E20;
	[sflag:s20] =	ssyncadd.s32 $0xFFFF9C00  }
0x6e: {  	[spmem:s3] =	stream.indirect.scatter.add.f32 [tilespmem:s16], [sflag:$0x3], $0x40, s14, s15, $0xb8;
	[tilespmem:$0x1DB30] =	vst v63  }
0x6f: {  	_ =	swait.ge [sflag:s12], $0x6400  }
0x70: {  	[sflag:s12] =	ssyncset.done $0x0  }
0x71: {  	s1 =	simm.s32 $0x2A30;
	[sflag:s12] =	ssyncadd.s32 $0xFFFF9C00  }
0x72: {  	[tilespmem:s16], [sflag:$0x1] =	stream.indirect.gather [hbm4b:s2+s15], $0x40, s1, s15, $0xb8;
	[tilespmem:$0x1DB30] =	vst v63  }
0x73: {  	_ =	swait.ge [sflag:s21], $0x6400  }
0x74: {  	[sflag:s21] =	ssyncset.done $0x0  }
0x75: {  	s14 =	simm.s32 $0x4FB0;
	[sflag:s21] =	ssyncadd.s32 $0xFFFF9C00  }
0x76: {  	[spmem:s3] =	stream.indirect.scatter.add.f32 [tilespmem:s17], [sflag:$0x3], $0x40, s14, s15, $0xb8;
	[tilespmem:$0x1DB30] =	vst v63  }
0x77: {  	_ =	swait.ge [sflag:s12], $0x6400  }
0x78: {  	[sflag:s12] =	ssyncset.done $0x0  }
0x79: {  	s0 =	simm.s32 $0x2BC0;
	s1 =	simm.s32 $0xC80;
	[sflag:s12] =	ssyncadd.s32 $0xFFFF9C00  }
.LBB2_4:
0x7a: {  	[tilespmem:s17], [sflag:$0x2] =	stream.indirect.gather [hbm4b:s2+s15], $0x40, s0, s15, $0xb8;
	[tilespmem:$0x1DB30] =	vst v63  }
0x7b: {  	s0 =	smov.u32 s1  }
0x7c: {  	p0 =	sne.s32 s1, $0x7D00;
	s1 =	sadd.s32 $0xC80, s1;
	_ =	swait.ge [sflag:s20], $0x6400  }
0x7d: {  	s0 =	sshra.s32 s0, $0x2;
	[sflag:s20] =	ssyncset.done $0x0  }
0x7e: {  	s14 =	sadd.s32 $0x4E20, s0;
	[sflag:s20] =	ssyncadd.s32 $0xFFFF9C00  }
0x7f: {  	[spmem:s3] =	stream.indirect.scatter.add.f32 [tilespmem:s16], [sflag:$0x3], $0x40, s14, s15, $0xb8;
	[tilespmem:$0x1DB30] =	vst v63  }
0x80: {  	_ =	swait.ge [sflag:s12], $0x6400  }
0x81: {  	[sflag:s12] =	ssyncset.done $0x0  }
0x82: {  	s14 =	sadd.s32 $0x2A30, s0;
	[sflag:s12] =	ssyncadd.s32 $0xFFFF9C00  }
0x83: {  	[tilespmem:s16], [sflag:$0x1] =	stream.indirect.gather [hbm4b:s2+s15], $0x40, s14, s15, $0xb8;
	[tilespmem:$0x1DB30] =	vst v63  }
0x84: {  	_ =	swait.ge [sflag:s21], $0x6400  }
0x85: {  	[sflag:s21] =	ssyncset.done $0x0  }
.Ltmp1:
0x86: {  	s14 =	sadd.s32 $0x4FB0, s0;
	[sflag:s21] =	ssyncadd.s32 $0xFFFF9C00;
	(pc) =	sbr.rel @p0 .LBB2_4-.Ltmp1, $4  }
0x87: {  	[spmem:s3] =	stream.indirect.scatter.add.f32 [tilespmem:s17], [sflag:$0x3], $0x40, s14, s15, $0xb8;
	[tilespmem:$0x1DB30] =	vst v63  }
0x88: {  	_ =	swait.ge [sflag:s12], $0x6400  }
0x89: {  	[sflag:s12] =	ssyncset.done $0x0  }
0x8a: {  	s0 =	sadd.s32 $0x2BC0, s0;
	[sflag:s12] =	ssyncadd.s32 $0xFFFF9C00  }
0x8b: {  	[tilespmem:s17], [sflag:$0x2] =	stream.indirect.gather [hbm4b:s2+s15], $0x40, s0, s15, $0xb8;
	[tilespmem:$0x1DB30] =	vst v63  }
0x8c: {  	_ =	swait.ge [sflag:s20], $0x6400  }
0x8d: {  	[sflag:s20] =	ssyncset.done $0x0  }
0x8e: {  	[sflag:s20] =	ssyncadd.s32 $0xFFFF9C00  }
0x8f: {  	[spmem:s3] =	stream.indirect.scatter.add.f32 [tilespmem:s16], [sflag:$0x3], $0x40, s22, s15, $0xb8;
	[tilespmem:$0x1DB30] =	vst v63  }
0x90: {  	_ =	swait.ge [sflag:s12], $0x6400  }
0x91: {  	[sflag:s12] =	ssyncset.done $0x0  }
0x92: {  	[sflag:s12] =	ssyncadd.s32 $0xFFFF9C00  }
0x93: {  	[tilespmem:s16], [sflag:$0x1] =	stream.indirect.gather [hbm4b:s2+s15], $0x40, s30, s15, $0xb8;
	[tilespmem:$0x1DB30] =	vst v63  }
0x94: {  	_ =	swait.ge [sflag:s21], $0x6400  }
0x95: {  	[sflag:s21] =	ssyncset.done $0x0  }
0x96: {  	[sflag:s21] =	ssyncadd.s32 $0xFFFF9C00  }
0x97: {  	[spmem:s3] =	stream.indirect.scatter.add.f32 [tilespmem:s17], [sflag:$0x3], $0x40, s24, s15, $0xb8;
	[tilespmem:$0x1DB30] =	vst v63  }
0x98: {  	_ =	swait.ge [sflag:s12], $0x6400  }
0x99: {  	[sflag:s12] =	ssyncset.done $0x0  }
0x9a: {  	[sflag:s12] =	ssyncadd.s32 $0xFFFF9C00  }
0x9b: {  	_ =	swait.ge [sflag:s20], $0x6400  }
0x9c: {  	[sflag:s20] =	ssyncset.done $0x0  }
0x9d: {  	[sflag:s20] =	ssyncadd.s32 $0xFFFF9C00  }
0x9e: {  	[spmem:s3] =	stream.indirect.scatter.add.f32 [tilespmem:s16], [sflag:$0x3], $0x40, s25, s15, $0xb8;
	[tilespmem:$0x1DB30] =	vst v63  }
0x9f: {  	_ =	swait.ge [sflag:s12], $0x6400  }
0xa0: {  	s31 =	sadd.s32 $0x1, s31;
	[sflag:s12] =	ssyncset.done $0x0  }
0xa1: {  	p0 =	sne.s32 s31, s11;
	[sflag:s12] =	ssyncadd.s32 $0xFFFF9C00  }
.Ltmp2:
0xa2: {  	[bflag:$0x0] =	sbarrier.arrive $0xFFFF;
	(pc) =	sbr.rel @p0 .LBB2_1-.Ltmp2, $4  }
0xa3: {  	[hbm:s10@s26], [sflag:s18] =	dma.strided [spmem:s19@s28], $0x13C0, s20, $0x8   }
0xa4: {  	_ =	swait.ge [sflag:s12], $0x13C0  }
0xa5: {  	[sflag:s12] =	ssyncset.done $0x0  }
0xa6: {  	[sflag:s12] =	ssyncadd.s32 $0xFFFFEC40  }
0xa7: {  	_ =	sfence.sel $0x180000  }
0xa8: {  	[bflag:$0x0] =	sbarrier.arrive $0xFFFF  }
0xa9: {  	_ =	strace $0x9000004A  }
0xaa: {  	s0 =	stileid.u32;
	[bflag:$0x2] =	sbarrier.arrive $0xFFFF  }
0xab: {  	p0 =	sne.s32 s0, $0x0;
	s0 =	rddreg [dreg:$0x3]  }
0xac: {  	s0 =	sadd.s32 @!p0 $0x100000, s0  }
0xad: {  	[sflag:s0] =	ssyncadd.tile.s32 @!p0 $0x1;
	_ =	shalt  }
.Lfunc_end2:
_tile_overlayer_lowered:
.L_overlay_start_2:
0xae: {  	(tag) =	ssettag $0x2  }
0xaf: {  	s0 =	rddreg [dreg:$0x0];
	s2 =	stileid.u32  }
0xb0: {  	s1 =	rddreg [dreg:$0x1];
	p0 =	sne.s32 s2, $0x0  }
0xb1: {  	s3 =	rddreg [dreg:$0x2];
	[bflag:$0x3] =	sbarrier.arrive $0xFFFF;
	s2 =	simm.s32 @!p0 $0x1C03  }
0xb2: {  	[timem:s3], [sflag:s2] =	dma.local @!p0 [hbm:s0], s1  }
0xb3: {  	s0 =	simm.s32 @!p0 $0x3  }
0xb4: {  	_ =	swait.ge @!p0 [sflag:s0], s1  }
0xb5: {  	s1 =	ssub.s32 @!p0 $0x0, s1;
	[sflag:s0] =	ssyncset.done @!p0 $0x0  }
0xb6: {  	[sflag:s0] =	ssyncadd.s32 @!p0 s1  }
0xb7: {  	[bflag:$0x3] =	sbarrier.arrive $0xFFFF  }
0xb8: {  	_ =	shalt  }

// kernel: kernel.14.cloned.1.call-start
scs
__scs_entry_jumppad:
0x0: {  	(pc) =	sbr.rel $0x88, $3  }
0x1: {  	(tag) =	ssettag $0x0;
	lr =	simm.s32 $0x1  }
0x2: {  	[smem:$0x3F99] =	sst lr;
	_ =	strace $0xD0000000  }
0x3: {  	_ = 	snop  }
0x4: {  	_ = 	snop  }
0x5: {  	_ = 	snop  }
0x6: {  	_ = 	snop  }
0x7: {  	_ = 	snop  }
__scs_overlays_trampoline_lowered:
0x8: {  	[smem:$0x3FA8] =	sst s0  }
0x9: {  	[smem:$0x3FA9] =	sst s1  }
0xa: {  	[smem:$0x3FAA] =	sst s2  }
0xb: {  	[smem:$0x3FAB] =	sst s3  }
0xc: {  	[smem:$0x3FAC] =	sst s4  }
0xd: {  	[smem:$0x3FAD] =	sst s5  }
0xe: {  	[smem:$0x3FAE] =	sst s6  }
0xf: {  	[smem:$0x3FAF] =	sst s7  }
0x10: {  	[smem:$0x3FB0] =	sst s8  }
0x11: {  	[smem:$0x3FB1] =	sst s9;
	s0 =	simm.s32 @!p0 $0x0  }
0x12: {  	s1 =	sld [smem:$0x3F97];
	s0 =	simm.s32 @p0 $0x1  }
0x13: {  	[smem:$0x3FB2] =	sst s0;
	s0 =	simm.s32 @!p1 $0x0  }
0x14: {  	s2 =	sld [smem:$0x3F96];
	s0 =	simm.s32 @p1 $0x1  }
0x15: {  	[smem:$0x3FB3] =	sst s0;
	s0 =	simm.s32 @!p2 $0x0  }
0x16: {  	s3 =	sld [smem:$0x3FDB];
	s0 =	simm.s32 @p2 $0x1  }
0x17: {  	s4 =	simm.s32 $0x1BF5;
	[smem:$0x3FB5] =	sst s0  }
0x18: {  	s0 =	sld [smem:$0x3F98];
	_ =	swait.ge [sflag:s4], $0x0  }
0x19: {  	s7 =	sld [smem:$0x3F99]  }
0x1a: {  	s8 =	sadd.s32 $0xFFFFE003, lr  }
0x1b: {  	s9 =	sadd.s32 $0xFFFFFEF7, lr;
	s5 =	simm.s32 $0xFFFFFFFF;
	p2 =	slt.u32 s8, $0xFFFFF086  }
0x1c: {  	p1 =	slt.u32 s9, $0xF7A;
	s5 =	simm.s32 @!p2 $0x0  }
0x1d: {  	s5 =	simm.s32 @p1 $0x1;
	p0 =	seq.s32 s7, s2  }
0x1e: {  	s7 =	smul.u32 @!p0 $0xF7A, s2;
	p2 =	seq.s32 @!p0 s5, $0x0  }
0x1f: {  	s9 =	smul.u32 $0xF7A, s1;
	s8 =	simm.s32 @!p0 $0x1BF5;
	p2 =	por !p2, p0  }
0x20: {  	[sflag:s8] =	ssyncset.s32 @!p0 $0xFFFFF086;
	s6 =	sadd.s32 @!p0 s3, s7;
	s7 =	simm.s32 @!p0 $0x108  }
0x21: {  	s3 =	sadd.s32 s3, s9;
	s6 =	sadd.s32 @!p0 $0x88, s6;
	s7 =	simm.s32 @p2 $0x1082  }
0x22: {  	[simem:s7], [sflag:s8] =	dma.local @!p0 [hbm:s6], $0xF7A  }
0x23: {  	s9 =	sor.u32 $0xD0000000, s2;
	s6 =	simm.s32 $0x108;
	_ =	swait.ge @!p0 [sflag:s8], $0x0  }
0x24: {  	s3 =	sadd.s32 $0x88, s3;
	s6 =	simm.s32 @!p1 $0x1082;
	[sflag:s4] =	ssyncset.s32 $0xFFFFF086  }
0x25: {  	[simem:s6], [sflag:s4] =	dma.local [hbm:s3], $0xF7A  }
0x26: {  	[smem:$0x3F99] =	sst s1;
	(tag) =	ssettag s2;
	_ =	strace s9  }
0x27: {  	s1 =	sld [smem:$0x3FA9]  }
0x28: {  	s2 =	sld [smem:$0x3FAA]  }
0x29: {  	s4 =	sld [smem:$0x3FAC]  }
0x2a: {  	p0 =	seq.s32 s5, $0x0;
	s5 =	sld [smem:$0x3FAD]  }
0x2b: {  	s6 =	sld [smem:$0x3FAE]  }
0x2c: {  	s7 =	sld [smem:$0x3FAF]  }
0x2d: {  	s3 =	simm.s32 $0x108;
	s8 =	sld [smem:$0x3FB0]  }
0x2e: {  	s3 =	simm.s32 @!p0 $0x1082;
	s9 =	sld [smem:$0x3FB1]  }
0x2f: {  	lr =	sadd.s32 s0, s3;
	s0 =	sld [smem:$0x3FA8]  }
0x30: {  	s3 =	sld [smem:$0x3FAB]  }
0x31: {  	[smem:$0x3FB4] =	sst s10  }
0x32: {  	s10 =	sld [smem:$0x3FB2];
	_ =	sdelay $0x3  }
0x33: {  	p0 =	seq.s32 s10, $0x1;
	s10 =	sld [smem:$0x3FB4];
	_ =	sdelay $0x3  }
0x34: {  	[smem:$0x3FB4] =	sst s10  }
0x35: {  	s10 =	sld [smem:$0x3FB3];
	_ =	sdelay $0x3  }
0x36: {  	p1 =	seq.s32 s10, $0x1;
	s10 =	sld [smem:$0x3FB4];
	_ =	sdelay $0x3  }
0x37: {  	[smem:$0x3FB4] =	sst s10  }
0x38: {  	s10 =	sld [smem:$0x3FB5]  }
0x39: {  	_ = 	snop;
	(pc) =	sbr.ind lr, $3  }
0x3a: {  	_ = 	snop  }
0x3b: {  	_ = 	snop  }
0x3c: {  	p2 =	seq.s32 s10, $0x1;
	s10 =	sld [smem:$0x3FB4]  }
0x3d: {  	_ =	shalt  }
0x3e: {  	_ =	shalt  }
0x3f: {  	_ =	shalt  }
0x40: {  	_ =	shalt  }
0x41: {  	_ =	shalt  }
0x42: {  	_ =	shalt  }
0x43: {  	_ =	shalt  }
0x44: {  	_ =	shalt  }
0x45: {  	_ =	shalt  }
0x46: {  	_ =	shalt  }
0x47: {  	_ =	shalt  }
0x48: {  	_ =	shalt  }
0x49: {  	_ =	shalt  }
0x4a: {  	_ =	shalt  }
0x4b: {  	_ =	shalt  }
0x4c: {  	_ =	shalt  }
0x4d: {  	_ =	shalt  }
0x4e: {  	_ =	shalt  }
0x4f: {  	_ =	shalt  }
0x50: {  	_ =	shalt  }
0x51: {  	_ =	shalt  }
0x52: {  	_ =	shalt  }
0x53: {  	_ =	shalt  }
0x54: {  	_ =	shalt  }
0x55: {  	_ =	shalt  }
0x56: {  	_ =	shalt  }
0x57: {  	_ =	shalt  }
0x58: {  	_ =	shalt  }
0x59: {  	_ =	shalt  }
0x5a: {  	_ =	shalt  }
0x5b: {  	_ =	shalt  }
0x5c: {  	_ =	shalt  }
0x5d: {  	_ =	shalt  }
0x5e: {  	_ =	shalt  }
0x5f: {  	_ =	shalt  }
0x60: {  	_ =	shalt  }
0x61: {  	_ =	shalt  }
0x62: {  	_ =	shalt  }
0x63: {  	_ =	shalt  }
0x64: {  	_ =	shalt  }
0x65: {  	_ =	shalt  }
0x66: {  	_ =	shalt  }
0x67: {  	_ =	shalt  }
0x68: {  	_ =	shalt  }
0x69: {  	_ =	shalt  }
0x6a: {  	_ =	shalt  }
0x6b: {  	_ =	shalt  }
0x6c: {  	_ =	shalt  }
0x6d: {  	_ =	shalt  }
0x6e: {  	_ =	shalt  }
0x6f: {  	_ =	shalt  }
0x70: {  	_ =	shalt  }
0x71: {  	_ =	shalt  }
0x72: {  	_ =	shalt  }
0x73: {  	_ =	shalt  }
0x74: {  	_ =	shalt  }
0x75: {  	_ =	shalt  }
0x76: {  	_ =	shalt  }
0x77: {  	_ =	shalt  }
0x78: {  	_ =	shalt  }
0x79: {  	_ =	shalt  }
0x7a: {  	_ =	shalt  }
0x7b: {  	_ =	shalt  }
0x7c: {  	_ =	shalt  }
0x7d: {  	_ =	shalt  }
0x7e: {  	_ =	shalt  }
0x7f: {  	_ =	shalt  }
0x80: {  	_ =	shalt  }
0x81: {  	_ =	shalt  }
0x82: {  	_ =	shalt  }
0x83: {  	_ =	shalt  }
0x84: {  	_ =	shalt  }
0x85: {  	_ =	shalt  }
0x86: {  	_ =	shalt  }
0x87: {  	_ =	shalt  }
.Lfunc_end0:
.L_simem_size_0:
called_computation.2_lowered:
.L_overlay_start_0:
0x88: {  	s2 =	sld [smem:$0x3FD9]  }
0x89: {  	s3 =	sld [smem:$0x3FFE];
	_ =	sdelay $0x1  }
0x8a: {  	s1 =	srdreg.scid  }
0x8b: {  	s0 =	sand.u32 $0x1, s1  }
0x8c: {  	s17 =	sshll.u32 s0, $0xA;
	s2 =	sadd.s32 s3, s2  }
0x8d: {  	s2 =	sadd.s32 s2, s17  }
0x8e: {  	[smem:$0x3FC0] =	sst s2  }
0x8f: {  	_ = 	snop  }
0x90: {  	s2 =	sld [smem:$0x3FD0];
	(tm) =	ssettm $0x1  }
0x91: {  	s18 =	sld [smem:$0x3FFB];
	_ =	sdelay $0x3  }
0x92: {  	_ =	strace s18  }
0x93: {  	s3 =	sld [smem:$0x3FFC];
	_ =	sdelay $0x3  }
0x94: {  	_ =	strace s3  }
0x95: {  	s3 =	sld [smem:$0x3FFD];
	_ =	sdelay $0x3  }
0x96: {  	_ =	strace s3  }
0x97: {  	_ =	strace $0x8FFFFFFF  }
0x98: {  	s19 =	sld [smem:$0x3FDB];
	_ =	sdelay $0x1  }
0x99: {  	s4 =	simm.s32 $_scs_section_size  }
0x9a: {  	s5 =	simm.s32 $_size__tile_overlayer_lowered;
	s6 =	simm.s32 $_tile_overlayer_lowered  }
0x9b: {  	s22 =	simm.s32 $0x1BFF;
	s21 =	sshll.u32 s6, $0x1;
	s3 =	sadd.s32 s4, s19  }
0x9c: {  	s7 =	simm.s32 $0x0;
	s20 =	sshll.u32 s5, $0x1;
	s5 =	sadd.s32 s21, s3  }
0x9d: {  	[timem:s7], [sflag:s22] =	dma.local [hbm:s5], s20  }
0x9e: {  	_ =	swait.ge [sflag:s22], s20  }
0x9f: {  	s4 =	ssub.s32 $0x0, s20;
	[sflag:s22] =	ssyncset.done $0x0  }
0xa0: {  	[sflag:s22] =	ssyncadd.s32 s4;
	_ =	sdelay $0x1  }
0xa1: {  	s23 =	simm.s32 $0x1B8B  }
0xa2: {  	_ =	swait.ge [sflag:s23], $0x1  }
0xa3: {  	[sflag:s23] =	ssyncset.done $0x0  }
0xa4: {  	s25 =	simm.s32 $0x1B8E;
	s24 =	sld [smem:$0x3FFE];
	[sflag:s23] =	ssyncadd.s32 $0xFFFFFFFF  }
0xa5: {  	s26 =	simm.s32 $execute0_lowered;
	[smem:$0x3FD2] =	sst s25  }
0xa6: {  	s5 =	sshll.u32 s26, $0x1;
	_ =	strace $0x8000004C;
	[dreg:$0x1] =	wrdreg $0xFFFFFFFF  }
0xa7: {  	s28 =	simm.s32 $_size_execute0_lowered;
	s3 =	sadd.s32 s3, s5;
	[dreg:$0x0] =	wrdreg $0x0  }
0xa8: {  	s5 =	sshll.u32 s28, $0x1;
	[dreg:$0x2] =	wrdreg s3  }
0xa9: {  	[dreg:$0x3] =	wrdreg s5  }
0xaa: {  	[dreg:$0x4] =	wrdreg $0xC0  }
0xab: {  	_ =	task [dreg:s7], $0x5FFFF  }
0xac: {  	[dreg:$0x1] =	wrdreg $0xFFFFFFFF  }
0xad: {  	[dreg:$0x0] =	wrdreg $0x60  }
0xae: {  	[dreg:$0x2] =	wrdreg s2  }
0xaf: {  	[dreg:$0x3] =	wrdreg s24  }
0xb0: {  	[dreg:$0x4] =	wrdreg $0x13D300  }
0xb1: {  	[dreg:$0x5] =	wrdreg $0x9  }
0xb2: {  	_ =	task.clear_ibuf [dreg:s7], $0x6FFFF;
	_ =	strace $0x9000004C  }
0xb3: {  	s29 =	simm.s32 $0x9;
	_ =	strace $0x8000004E  }
0xb4: {  	_ =	swait.ge [sflag:s29], $0x1  }
0xb5: {  	[sflag:s29] =	ssyncadd.s32 $0xFFFFFFFF  }
0xb6: {  	_ =	strace $0x9000004E  }
0xb7: {  	_ =	sfence  }
0xb8: {  	s30 =	sld [smem:$0x0];
	_ =	sdelay $0x2  }
0xb9: {  	s31 =	sshll.u32 s1, $0xD;
	s1 =	sshrl.u32 s1, $0x2  }
0xba: {  	s3 =	sand.u32 $0x4000, s31;
	s1 =	sadd.s32 s1, s30  }
0xbb: {  	s0 =	sor.u32 s3, s0;
	s1 =	sshll.u32 s1, $0x11  }
0xbc: {  	s0 =	sor.u32 s1, s0  }
0xbd: {  	s0 =	sadd.s32 $0x8F2B, s0  }
0xbe: {  	[sflag:s0] =	ssyncadd.remote.s32 $0x1  }
0xbf: {  	_ =	sfence.sel $0xFFFF  }
0xc0: {  	[dreg:$0x0] =	wrdreg $0xFFFFFFFF;
	(pc) =	sbr.abs _section_cstart, $3  }
0xc1: {  	[dreg:$0x1] =	wrdreg $0xFFFFFFFF  }
0xc2: {  	_ =	task.clear_ibuf [dreg:s7], $0x2FFFF;
	_ =	strace $0x9FFFFFFF  }
0xc3: {  	(tm) =	ssettm $0x7FFFFFFF  }
tec
execute0_lowered:
.L_overlay_start_1:
0x0: {  	(tag) =	ssettag $0x1  }
0x1: {  	s2 =	rddreg [dreg:$0x0]  }
0x2: {  	s0 =	srdreg.scid;
	s5 =	rddreg [dreg:$0x1]  }
0x3: {  	s14 =	stileid.u32;
	s3 =	rddreg [dreg:$0x2];
	s4 =	simm.s32 $0x0  }
0x4: {  	s12 =	simm.s32 $0x3;
	s13 =	simm.s32 $0x2710;
	s15 =	simm.s32 $0x190  }
0x5: {  	s16 =	simm.s32 $0x7530;
	s17 =	simm.s32 $0xD930;
	s20 =	simm.s32 $0x1  }
0x6: {  	s21 =	simm.s32 $0x2;
	s22 =	simm.s32 $0x7080;
	s23 =	simm.s32 $0x2580  }
0x7: {  	s28 =	simm.s32 $0x8;
	s29 =	simm.s32 $0x28A0;
	s30 =	simm.s32 $0x4C90  }
0x8: {  	s31 =	simm.s32 $0x0;
	s0 =	sand.u32 $0x1, s0;
	s8 =	smul.u32 $0x9E00, s14  }
0x9: {  	[smem:$0x7FF] =	sst s4;
	s7 =	smul.u32 $0x13C00, s14;
	s26 =	sshll.u32 s14, $0x6  }
0xa: {  	s1 =	sshll.u32 s0, $0x4;
	s6 =	smul.u32 $0x13C000, s0;
	_ =	strace $0x8000004D  }
0xb: {  	s0 =	ssub.s32 $0x2, s0;
	s18 =	sor.u32 $0x1C03, s26;
	s26 =	simm.s32 $0x10  }
0xc: {  	s1 =	sor.u32 s14, s1;
	s9 =	sshrl.u32 s8, $0x3;
	s24 =	sshrl.u32 s0, $0x1  }
0xd: {  	s25 =	sadd.s32 s8, s3;
	s1 =	smul.u32 $0x4E2, s1;
	s6 =	sadd.s32 s7, s6  }
0xe: {  	s9 =	sadd.s32 s9, s5;
	s0 =	ssub.s32 s0, s24;
	s19 =	sshrl.u32 s25, $0x3  }
0xf: {  	s24 =	simm.s32 $0x7210;
	s25 =	simm.s32 $0x73A0;
	s6 =	sshrl.u32 s6, $0x3  }
0x10: {  	s8 =	sadd.s32 $0x2F000, s9;
	s11 =	smax.u32 s0, $0x1;
	s1 =	sadd.s32 s1, s5  }
0x11: {  	s10 =	sadd.s32 s6, s5;
	s5 =	sadd.s32 $0xC200, s1;
	s6 =	sadd.s32 $0x25200, s1  }
0x12: {  	s7 =	sadd.s32 $0x2400, s1;
	s9 =	sadd.s32 $0x42C00, s10;
	s10 =	sadd.s32 $0x42C08, s10  }
.LBB2_1:
0x13: {  	[tilespmem:s4], [sflag:$0x3] =	stream.linear.gather [hbm4b:s5+s4], $0x2710, $0x38;
	[tilespmem:$0x1DB30] =	vst v63  }
0x14: {  	_ =	swait.ge [sflag:s12], $0x2710  }
0x15: {  	[sflag:s12] =	ssyncset.done $0x0  }
0x16: {  	[sflag:s12] =	ssyncadd.s32 $0xFFFFD8F0  }
0x17: {  	[tilespmem:s13], [sflag:$0x3] =	stream.linear.gather [hbm4b:s6+s4], $0x2710, $0x38;
	[tilespmem:$0x1DB30] =	vst v63  }
0x18: {  	_ =	swait.ge [sflag:s12], $0x2710  }
0x19: {  	[sflag:s12] =	ssyncset.done $0x0  }
0x1a: {  	s0 =	simm.s32 $0x4E20;
	[sflag:s12] =	ssyncadd.s32 $0xFFFFD8F0  }
0x1b: {  	[tilespmem:s0], [sflag:$0x3] =	stream.linear.gather [hbm4b:s7+s4], $0x2710, $0x38;
	[tilespmem:$0x1DB30] =	vst v63  }
0x1c: {  	_ =	swait.ge [sflag:s12], $0x2710  }
0x1d: {  	[sflag:s12] =	ssyncset.done $0x0  }
0x1e: {  	[sflag:s12] =	ssyncadd.s32 $0xFFFFD8F0  }
0x1f: {  	[tilespmem:s16], [sflag:$0x1] =	stream.indirect.gather [hbm4b:s2+s15], $0x40, s4, s15, $0xb8;
	[tilespmem:$0x1DB30] =	vst v63  }
0x20: {  	_ = 	snop  }
0x21: {  	[tilespmem:s17], [sflag:$0x2] =	stream.indirect.gather [hbm4b:s2+s15], $0x40, s15, s15, $0xb8;
	[tilespmem:$0x1DB30] =	vst v63  }
0x22: {  	[spmem:s19], [sflag:s18] =	dma.local [hbm:s8], $0x13C0  }
0x23: {  	_ =	swait.ge [sflag:s12], $0x13C0  }
0x24: {  	[sflag:s12] =	ssyncset.done $0x0  }
0x25: {  	[sflag:s12] =	ssyncadd.s32 $0xFFFFEC40  }
0x26: {  	[bflag:$0x0] =	sbarrier.arrive $0xFFFF  }
0x27: {  	_ =	swait.ge [sflag:s20], $0x6400  }
0x28: {  	[sflag:s20] =	ssyncset.done $0x0  }
0x29: {  	s14 =	simm.s32 $0x4E20;
	[sflag:s20] =	ssyncadd.s32 $0xFFFF9C00  }
0x2a: {  	[spmem:s3] =	stream.indirect.scatter.add.f32 [tilespmem:s16], [sflag:$0x3], $0x40, s14, s15, $0xb8;
	[tilespmem:$0x1DB30] =	vst v63  }
0x2b: {  	_ =	swait.ge [sflag:s12], $0x6400  }
0x2c: {  	[sflag:s12] =	ssyncset.done $0x0  }
0x2d: {  	s1 =	simm.s32 $0x320;
	[sflag:s12] =	ssyncadd.s32 $0xFFFF9C00  }
0x2e: {  	[tilespmem:s16], [sflag:$0x1] =	stream.indirect.gather [hbm4b:s2+s15], $0x40, s1, s15, $0xb8;
	[tilespmem:$0x1DB30] =	vst v63  }
0x2f: {  	_ =	swait.ge [sflag:s21], $0x6400  }
0x30: {  	[sflag:s21] =	ssyncset.done $0x0  }
0x31: {  	s14 =	simm.s32 $0x4FB0;
	[sflag:s21] =	ssyncadd.s32 $0xFFFF9C00  }
0x32: {  	[spmem:s3] =	stream.indirect.scatter.add.f32 [tilespmem:s17], [sflag:$0x3], $0x40, s14, s15, $0xb8;
	[tilespmem:$0x1DB30] =	vst v63  }
0x33: {  	_ =	swait.ge [sflag:s12], $0x6400  }
0x34: {  	[sflag:s12] =	ssyncset.done $0x0  }
0x35: {  	s0 =	simm.s32 $0x4B0;
	s1 =	simm.s32 $0xC80;
	[sflag:s12] =	ssyncadd.s32 $0xFFFF9C00  }
.LBB2_2:
0x36: {  	[tilespmem:s17], [sflag:$0x2] =	stream.indirect.gather [hbm4b:s2+s15], $0x40, s0, s15, $0xb8;
	[tilespmem:$0x1DB30] =	vst v63  }
0x37: {  	s0 =	smov.u32 s1  }
0x38: {  	p0 =	sne.s32 s1, $0x7D00;
	s1 =	sadd.s32 $0xC80, s1;
	_ =	swait.ge [sflag:s20], $0x6400  }
0x39: {  	s0 =	sshra.s32 s0, $0x2;
	[sflag:s20] =	ssyncset.done $0x0  }
0x3a: {  	s14 =	sadd.s32 $0x4E20, s0;
	[sflag:s20] =	ssyncadd.s32 $0xFFFF9C00  }
0x3b: {  	[spmem:s3] =	stream.indirect.scatter.add.f32 [tilespmem:s16], [sflag:$0x3], $0x40, s14, s15, $0xb8;
	[tilespmem:$0x1DB30] =	vst v63  }
0x3c: {  	_ =	swait.ge [sflag:s12], $0x6400  }
0x3d: {  	[sflag:s12] =	ssyncset.done $0x0  }
0x3e: {  	s14 =	sadd.s32 $0x320, s0;
	[sflag:s12] =	ssyncadd.s32 $0xFFFF9C00  }
0x3f: {  	[tilespmem:s16], [sflag:$0x1] =	stream.indirect.gather [hbm4b:s2+s15], $0x40, s14, s15, $0xb8;
	[tilespmem:$0x1DB30] =	vst v63  }
0x40: {  	_ =	swait.ge [sflag:s21], $0x6400  }
0x41: {  	[sflag:s21] =	ssyncset.done $0x0  }
.Ltmp0:
0x42: {  	s14 =	sadd.s32 $0x4FB0, s0;
	[sflag:s21] =	ssyncadd.s32 $0xFFFF9C00;
	(pc) =	sbr.rel @p0 .LBB2_2-.Ltmp0, $4  }
0x43: {  	[spmem:s3] =	stream.indirect.scatter.add.f32 [tilespmem:s17], [sflag:$0x3], $0x40, s14, s15, $0xb8;
	[tilespmem:$0x1DB30] =	vst v63  }
0x44: {  	_ =	swait.ge [sflag:s12], $0x6400  }
0x45: {  	[sflag:s12] =	ssyncset.done $0x0  }
0x46: {  	s0 =	sadd.s32 $0x4B0, s0;
	[sflag:s12] =	ssyncadd.s32 $0xFFFF9C00  }
0x47: {  	[tilespmem:s17], [sflag:$0x2] =	stream.indirect.gather [hbm4b:s2+s15], $0x40, s0, s15, $0xb8;
	[tilespmem:$0x1DB30] =	vst v63  }
0x48: {  	_ =	swait.ge [sflag:s20], $0x6400  }
0x49: {  	[sflag:s20] =	ssyncset.done $0x0  }
0x4a: {  	[sflag:s20] =	ssyncadd.s32 $0xFFFF9C00  }
0x4b: {  	[spmem:s3] =	stream.indirect.scatter.add.f32 [tilespmem:s16], [sflag:$0x3], $0x40, s22, s15, $0xb8;
	[tilespmem:$0x1DB30] =	vst v63  }
0x4c: {  	_ =	swait.ge [sflag:s12], $0x6400  }
0x4d: {  	[sflag:s12] =	ssyncset.done $0x0  }
0x4e: {  	[sflag:s12] =	ssyncadd.s32 $0xFFFF9C00  }
0x4f: {  	[tilespmem:s16], [sflag:$0x1] =	stream.indirect.gather [hbm4b:s2+s15], $0x40, s23, s15, $0xb8;
	[tilespmem:$0x1DB30] =	vst v63  }
0x50: {  	_ =	swait.ge [sflag:s21], $0x6400  }
0x51: {  	[sflag:s21] =	ssyncset.done $0x0  }
0x52: {  	[sflag:s21] =	ssyncadd.s32 $0xFFFF9C00  }
0x53: {  	[spmem:s3] =	stream.indirect.scatter.add.f32 [tilespmem:s17], [sflag:$0x3], $0x40, s24, s15, $0xb8;
	[tilespmem:$0x1DB30] =	vst v63  }
0x54: {  	_ =	swait.ge [sflag:s12], $0x6400  }
0x55: {  	[sflag:s12] =	ssyncset.done $0x0  }
0x56: {  	[sflag:s12] =	ssyncadd.s32 $0xFFFF9C00  }
0x57: {  	_ =	swait.ge [sflag:s20], $0x6400  }
0x58: {  	[sflag:s20] =	ssyncset.done $0x0  }
0x59: {  	[sflag:s20] =	ssyncadd.s32 $0xFFFF9C00  }
0x5a: {  	[spmem:s3] =	stream.indirect.scatter.add.f32 [tilespmem:s16], [sflag:$0x3], $0x40, s25, s15, $0xb8;
	[tilespmem:$0x1DB30] =	vst v63  }
0x5b: {  	_ =	swait.ge [sflag:s12], $0x6400  }
0x5c: {  	[sflag:s12] =	ssyncset.done $0x0  }
0x5d: {  	[sflag:s12] =	ssyncadd.s32 $0xFFFF9C00  }
0x5e: {  	[bflag:$0x0] =	sbarrier.arrive $0xFFFF  }
0x5f: {  	[hbm:s9@s26], [sflag:s18] =	dma.strided [spmem:s19@s28], $0x13C0, s20, $0x8   }
0x60: {  	_ =	swait.ge [sflag:s12], $0x13C0  }
0x61: {  	[sflag:s12] =	ssyncset.done $0x0  }
0x62: {  	[sflag:s12] =	ssyncadd.s32 $0xFFFFEC40  }
0x63: {  	[tilespmem:s16], [sflag:$0x1] =	stream.indirect.gather [hbm4b:s2+s15], $0x40, s13, s15, $0xb8;
	[tilespmem:$0x1DB30] =	vst v63  }
0x64: {  	_ = 	snop  }
0x65: {  	[tilespmem:s17], [sflag:$0x2] =	stream.indirect.gather [hbm4b:s2+s15], $0x40, s29, s15, $0xb8;
	[tilespmem:$0x1DB30] =	vst v63  }
0x66: {  	[spmem:s19], [sflag:s18] =	dma.local [hbm:s8], $0x13C0  }
0x67: {  	_ =	swait.ge [sflag:s12], $0x13C0  }
0x68: {  	[sflag:s12] =	ssyncset.done $0x0  }
0x69: {  	[sflag:s12] =	ssyncadd.s32 $0xFFFFEC40  }
0x6a: {  	[bflag:$0x0] =	sbarrier.arrive $0xFFFF  }
0x6b: {  	_ =	swait.ge [sflag:s20], $0x6400  }
0x6c: {  	[sflag:s20] =	ssyncset.done $0x0  }
0x6d: {  	s14 =	simm.s32 $0x4E20;
	[sflag:s20] =	ssyncadd.s32 $0xFFFF9C00  }
0x6e: {  	[spmem:s3] =	stream.indirect.scatter.add.f32 [tilespmem:s16], [sflag:$0x3], $0x40, s14, s15, $0xb8;
	[tilespmem:$0x1DB30] =	vst v63  }
0x6f: {  	_ =	swait.ge [sflag:s12], $0x6400  }
0x70: {  	[sflag:s12] =	ssyncset.done $0x0  }
0x71: {  	s1 =	simm.s32 $0x2A30;
	[sflag:s12] =	ssyncadd.s32 $0xFFFF9C00  }
0x72: {  	[tilespmem:s16], [sflag:$0x1] =	stream.indirect.gather [hbm4b:s2+s15], $0x40, s1, s15, $0xb8;
	[tilespmem:$0x1DB30] =	vst v63  }
0x73: {  	_ =	swait.ge [sflag:s21], $0x6400  }
0x74: {  	[sflag:s21] =	ssyncset.done $0x0  }
0x75: {  	s14 =	simm.s32 $0x4FB0;
	[sflag:s21] =	ssyncadd.s32 $0xFFFF9C00  }
0x76: {  	[spmem:s3] =	stream.indirect.scatter.add.f32 [tilespmem:s17], [sflag:$0x3], $0x40, s14, s15, $0xb8;
	[tilespmem:$0x1DB30] =	vst v63  }
0x77: {  	_ =	swait.ge [sflag:s12], $0x6400  }
0x78: {  	[sflag:s12] =	ssyncset.done $0x0  }
0x79: {  	s0 =	simm.s32 $0x2BC0;
	s1 =	simm.s32 $0xC80;
	[sflag:s12] =	ssyncadd.s32 $0xFFFF9C00  }
.LBB2_4:
0x7a: {  	[tilespmem:s17], [sflag:$0x2] =	stream.indirect.gather [hbm4b:s2+s15], $0x40, s0, s15, $0xb8;
	[tilespmem:$0x1DB30] =	vst v63  }
0x7b: {  	s0 =	smov.u32 s1  }
0x7c: {  	p0 =	sne.s32 s1, $0x7D00;
	s1 =	sadd.s32 $0xC80, s1;
	_ =	swait.ge [sflag:s20], $0x6400  }
0x7d: {  	s0 =	sshra.s32 s0, $0x2;
	[sflag:s20] =	ssyncset.done $0x0  }
0x7e: {  	s14 =	sadd.s32 $0x4E20, s0;
	[sflag:s20] =	ssyncadd.s32 $0xFFFF9C00  }
0x7f: {  	[spmem:s3] =	stream.indirect.scatter.add.f32 [tilespmem:s16], [sflag:$0x3], $0x40, s14, s15, $0xb8;
	[tilespmem:$0x1DB30] =	vst v63  }
0x80: {  	_ =	swait.ge [sflag:s12], $0x6400  }
0x81: {  	[sflag:s12] =	ssyncset.done $0x0  }
0x82: {  	s14 =	sadd.s32 $0x2A30, s0;
	[sflag:s12] =	ssyncadd.s32 $0xFFFF9C00  }
0x83: {  	[tilespmem:s16], [sflag:$0x1] =	stream.indirect.gather [hbm4b:s2+s15], $0x40, s14, s15, $0xb8;
	[tilespmem:$0x1DB30] =	vst v63  }
0x84: {  	_ =	swait.ge [sflag:s21], $0x6400  }
0x85: {  	[sflag:s21] =	ssyncset.done $0x0  }
.Ltmp1:
0x86: {  	s14 =	sadd.s32 $0x4FB0, s0;
	[sflag:s21] =	ssyncadd.s32 $0xFFFF9C00;
	(pc) =	sbr.rel @p0 .LBB2_4-.Ltmp1, $4  }
0x87: {  	[spmem:s3] =	stream.indirect.scatter.add.f32 [tilespmem:s17], [sflag:$0x3], $0x40, s14, s15, $0xb8;
	[tilespmem:$0x1DB30] =	vst v63  }
0x88: {  	_ =	swait.ge [sflag:s12], $0x6400  }
0x89: {  	[sflag:s12] =	ssyncset.done $0x0  }
0x8a: {  	s0 =	sadd.s32 $0x2BC0, s0;
	[sflag:s12] =	ssyncadd.s32 $0xFFFF9C00  }
0x8b: {  	[tilespmem:s17], [sflag:$0x2] =	stream.indirect.gather [hbm4b:s2+s15], $0x40, s0, s15, $0xb8;
	[tilespmem:$0x1DB30] =	vst v63  }
0x8c: {  	_ =	swait.ge [sflag:s20], $0x6400  }
0x8d: {  	[sflag:s20] =	ssyncset.done $0x0  }
0x8e: {  	[sflag:s20] =	ssyncadd.s32 $0xFFFF9C00  }
0x8f: {  	[spmem:s3] =	stream.indirect.scatter.add.f32 [tilespmem:s16], [sflag:$0x3], $0x40, s22, s15, $0xb8;
	[tilespmem:$0x1DB30] =	vst v63  }
0x90: {  	_ =	swait.ge [sflag:s12], $0x6400  }
0x91: {  	[sflag:s12] =	ssyncset.done $0x0  }
0x92: {  	[sflag:s12] =	ssyncadd.s32 $0xFFFF9C00  }
0x93: {  	[tilespmem:s16], [sflag:$0x1] =	stream.indirect.gather [hbm4b:s2+s15], $0x40, s30, s15, $0xb8;
	[tilespmem:$0x1DB30] =	vst v63  }
0x94: {  	_ =	swait.ge [sflag:s21], $0x6400  }
0x95: {  	[sflag:s21] =	ssyncset.done $0x0  }
0x96: {  	[sflag:s21] =	ssyncadd.s32 $0xFFFF9C00  }
0x97: {  	[spmem:s3] =	stream.indirect.scatter.add.f32 [tilespmem:s17], [sflag:$0x3], $0x40, s24, s15, $0xb8;
	[tilespmem:$0x1DB30] =	vst v63  }
0x98: {  	_ =	swait.ge [sflag:s12], $0x6400  }
0x99: {  	[sflag:s12] =	ssyncset.done $0x0  }
0x9a: {  	[sflag:s12] =	ssyncadd.s32 $0xFFFF9C00  }
0x9b: {  	_ =	swait.ge [sflag:s20], $0x6400  }
0x9c: {  	[sflag:s20] =	ssyncset.done $0x0  }
0x9d: {  	[sflag:s20] =	ssyncadd.s32 $0xFFFF9C00  }
0x9e: {  	[spmem:s3] =	stream.indirect.scatter.add.f32 [tilespmem:s16], [sflag:$0x3], $0x40, s25, s15, $0xb8;
	[tilespmem:$0x1DB30] =	vst v63  }
0x9f: {  	_ =	swait.ge [sflag:s12], $0x6400  }
0xa0: {  	s31 =	sadd.s32 $0x1, s31;
	[sflag:s12] =	ssyncset.done $0x0  }
0xa1: {  	p0 =	sne.s32 s31, s11;
	[sflag:s12] =	ssyncadd.s32 $0xFFFF9C00  }
.Ltmp2:
0xa2: {  	[bflag:$0x0] =	sbarrier.arrive $0xFFFF;
	(pc) =	sbr.rel @p0 .LBB2_1-.Ltmp2, $4  }
0xa3: {  	[hbm:s10@s26], [sflag:s18] =	dma.strided [spmem:s19@s28], $0x13C0, s20, $0x8   }
0xa4: {  	_ =	swait.ge [sflag:s12], $0x13C0  }
0xa5: {  	[sflag:s12] =	ssyncset.done $0x0  }
0xa6: {  	[sflag:s12] =	ssyncadd.s32 $0xFFFFEC40  }
0xa7: {  	_ =	sfence.sel $0x180000  }
0xa8: {  	[bflag:$0x0] =	sbarrier.arrive $0xFFFF  }
0xa9: {  	_ =	strace $0x9000004D  }
0xaa: {  	s0 =	stileid.u32;
	[bflag:$0x2] =	sbarrier.arrive $0xFFFF  }
0xab: {  	p0 =	sne.s32 s0, $0x0;
	s0 =	rddreg [dreg:$0x3]  }
0xac: {  	s0 =	sadd.s32 @!p0 $0x100000, s0  }
0xad: {  	[sflag:s0] =	ssyncadd.tile.s32 @!p0 $0x1;
	_ =	shalt  }
.Lfunc_end2:
_tile_overlayer_lowered:
.L_overlay_start_2:
0xae: {  	(tag) =	ssettag $0x2  }
0xaf: {  	s0 =	rddreg [dreg:$0x0];
	s2 =	stileid.u32  }
0xb0: {  	s1 =	rddreg [dreg:$0x1];
	p0 =	sne.s32 s2, $0x0  }
0xb1: {  	s3 =	rddreg [dreg:$0x2];
	[bflag:$0x3] =	sbarrier.arrive $0xFFFF;
	s2 =	simm.s32 @!p0 $0x1C03  }
0xb2: {  	[timem:s3], [sflag:s2] =	dma.local @!p0 [hbm:s0], s1  }
0xb3: {  	s0 =	simm.s32 @!p0 $0x3  }
0xb4: {  	_ =	swait.ge @!p0 [sflag:s0], s1  }
0xb5: {  	s1 =	ssub.s32 @!p0 $0x0, s1;
	[sflag:s0] =	ssyncset.done @!p0 $0x0  }
0xb6: {  	[sflag:s0] =	ssyncadd.s32 @!p0 s1  }
0xb7: {  	[bflag:$0x3] =	sbarrier.arrive $0xFFFF  }
0xb8: {  	_ =	shalt  }

// kernel: kernel.8.cloned.1.call-start
scs
__scs_entry_jumppad:
0x0: {  	(pc) =	sbr.rel $0x88, $3  }
0x1: {  	(tag) =	ssettag $0x0;
	lr =	simm.s32 $0x1  }
0x2: {  	[smem:$0x3F99] =	sst lr;
	_ =	strace $0xD0000000  }
0x3: {  	_ = 	snop  }
0x4: {  	_ = 	snop  }
0x5: {  	_ = 	snop  }
0x6: {  	_ = 	snop  }
0x7: {  	_ = 	snop  }
__scs_overlays_trampoline_lowered:
0x8: {  	[smem:$0x3FA8] =	sst s0  }
0x9: {  	[smem:$0x3FA9] =	sst s1  }
0xa: {  	[smem:$0x3FAA] =	sst s2  }
0xb: {  	[smem:$0x3FAB] =	sst s3  }
0xc: {  	[smem:$0x3FAC] =	sst s4  }
0xd: {  	[smem:$0x3FAD] =	sst s5  }
0xe: {  	[smem:$0x3FAE] =	sst s6  }
0xf: {  	[smem:$0x3FAF] =	sst s7  }
0x10: {  	[smem:$0x3FB0] =	sst s8  }
0x11: {  	[smem:$0x3FB1] =	sst s9;
	s0 =	simm.s32 @!p0 $0x0  }
0x12: {  	s1 =	sld [smem:$0x3F97];
	s0 =	simm.s32 @p0 $0x1  }
0x13: {  	[smem:$0x3FB2] =	sst s0;
	s0 =	simm.s32 @!p1 $0x0  }
0x14: {  	s2 =	sld [smem:$0x3F96];
	s0 =	simm.s32 @p1 $0x1  }
0x15: {  	[smem:$0x3FB3] =	sst s0;
	s0 =	simm.s32 @!p2 $0x0  }
0x16: {  	s3 =	sld [smem:$0x3FDB];
	s0 =	simm.s32 @p2 $0x1  }
0x17: {  	s4 =	simm.s32 $0x1BF5;
	[smem:$0x3FB5] =	sst s0  }
0x18: {  	s0 =	sld [smem:$0x3F98];
	_ =	swait.ge [sflag:s4], $0x0  }
0x19: {  	s7 =	sld [smem:$0x3F99]  }
0x1a: {  	s8 =	sadd.s32 $0xFFFFE003, lr  }
0x1b: {  	s9 =	sadd.s32 $0xFFFFFEF7, lr;
	s5 =	simm.s32 $0xFFFFFFFF;
	p2 =	slt.u32 s8, $0xFFFFF086  }
0x1c: {  	p1 =	slt.u32 s9, $0xF7A;
	s5 =	simm.s32 @!p2 $0x0  }
0x1d: {  	s5 =	simm.s32 @p1 $0x1;
	p0 =	seq.s32 s7, s2  }
0x1e: {  	s7 =	smul.u32 @!p0 $0xF7A, s2;
	p2 =	seq.s32 @!p0 s5, $0x0  }
0x1f: {  	s9 =	smul.u32 $0xF7A, s1;
	s8 =	simm.s32 @!p0 $0x1BF5;
	p2 =	por !p2, p0  }
0x20: {  	[sflag:s8] =	ssyncset.s32 @!p0 $0xFFFFF086;
	s6 =	sadd.s32 @!p0 s3, s7;
	s7 =	simm.s32 @!p0 $0x108  }
0x21: {  	s3 =	sadd.s32 s3, s9;
	s6 =	sadd.s32 @!p0 $0x88, s6;
	s7 =	simm.s32 @p2 $0x1082  }
0x22: {  	[simem:s7], [sflag:s8] =	dma.local @!p0 [hbm:s6], $0xF7A  }
0x23: {  	s9 =	sor.u32 $0xD0000000, s2;
	s6 =	simm.s32 $0x108;
	_ =	swait.ge @!p0 [sflag:s8], $0x0  }
0x24: {  	s3 =	sadd.s32 $0x88, s3;
	s6 =	simm.s32 @!p1 $0x1082;
	[sflag:s4] =	ssyncset.s32 $0xFFFFF086  }
0x25: {  	[simem:s6], [sflag:s4] =	dma.local [hbm:s3], $0xF7A  }
0x26: {  	[smem:$0x3F99] =	sst s1;
	(tag) =	ssettag s2;
	_ =	strace s9  }
0x27: {  	s1 =	sld [smem:$0x3FA9]  }
0x28: {  	s2 =	sld [smem:$0x3FAA]  }
0x29: {  	s4 =	sld [smem:$0x3FAC]  }
0x2a: {  	p0 =	seq.s32 s5, $0x0;
	s5 =	sld [smem:$0x3FAD]  }
0x2b: {  	s6 =	sld [smem:$0x3FAE]  }
0x2c: {  	s7 =	sld [smem:$0x3FAF]  }
0x2d: {  	s3 =	simm.s32 $0x108;
	s8 =	sld [smem:$0x3FB0]  }
0x2e: {  	s3 =	simm.s32 @!p0 $0x1082;
	s9 =	sld [smem:$0x3FB1]  }
0x2f: {  	lr =	sadd.s32 s0, s3;
	s0 =	sld [smem:$0x3FA8]  }
0x30: {  	s3 =	sld [smem:$0x3FAB]  }
0x31: {  	[smem:$0x3FB4] =	sst s10  }
0x32: {  	s10 =	sld [smem:$0x3FB2];
	_ =	sdelay $0x3  }
0x33: {  	p0 =	seq.s32 s10, $0x1;
	s10 =	sld [smem:$0x3FB4];
	_ =	sdelay $0x3  }
0x34: {  	[smem:$0x3FB4] =	sst s10  }
0x35: {  	s10 =	sld [smem:$0x3FB3];
	_ =	sdelay $0x3  }
0x36: {  	p1 =	seq.s32 s10, $0x1;
	s10 =	sld [smem:$0x3FB4];
	_ =	sdelay $0x3  }
0x37: {  	[smem:$0x3FB4] =	sst s10  }
0x38: {  	s10 =	sld [smem:$0x3FB5]  }
0x39: {  	_ = 	snop;
	(pc) =	sbr.ind lr, $3  }
0x3a: {  	_ = 	snop  }
0x3b: {  	_ = 	snop  }
0x3c: {  	p2 =	seq.s32 s10, $0x1;
	s10 =	sld [smem:$0x3FB4]  }
0x3d: {  	_ =	shalt  }
0x3e: {  	_ =	shalt  }
0x3f: {  	_ =	shalt  }
0x40: {  	_ =	shalt  }
0x41: {  	_ =	shalt  }
0x42: {  	_ =	shalt  }
0x43: {  	_ =	shalt  }
0x44: {  	_ =	shalt  }
0x45: {  	_ =	shalt  }
0x46: {  	_ =	shalt  }
0x47: {  	_ =	shalt  }
0x48: {  	_ =	shalt  }
0x49: {  	_ =	shalt  }
0x4a: {  	_ =	shalt  }
0x4b: {  	_ =	shalt  }
0x4c: {  	_ =	shalt  }
0x4d: {  	_ =	shalt  }
0x4e: {  	_ =	shalt  }
0x4f: {  	_ =	shalt  }
0x50: {  	_ =	shalt  }
0x51: {  	_ =	shalt  }
0x52: {  	_ =	shalt  }
0x53: {  	_ =	shalt  }
0x54: {  	_ =	shalt  }
0x55: {  	_ =	shalt  }
0x56: {  	_ =	shalt  }
0x57: {  	_ =	shalt  }
0x58: {  	_ =	shalt  }
0x59: {  	_ =	shalt  }
0x5a: {  	_ =	shalt  }
0x5b: {  	_ =	shalt  }
0x5c: {  	_ =	shalt  }
0x5d: {  	_ =	shalt  }
0x5e: {  	_ =	shalt  }
0x5f: {  	_ =	shalt  }
0x60: {  	_ =	shalt  }
0x61: {  	_ =	shalt  }
0x62: {  	_ =	shalt  }
0x63: {  	_ =	shalt  }
0x64: {  	_ =	shalt  }
0x65: {  	_ =	shalt  }
0x66: {  	_ =	shalt  }
0x67: {  	_ =	shalt  }
0x68: {  	_ =	shalt  }
0x69: {  	_ =	shalt  }
0x6a: {  	_ =	shalt  }
0x6b: {  	_ =	shalt  }
0x6c: {  	_ =	shalt  }
0x6d: {  	_ =	shalt  }
0x6e: {  	_ =	shalt  }
0x6f: {  	_ =	shalt  }
0x70: {  	_ =	shalt  }
0x71: {  	_ =	shalt  }
0x72: {  	_ =	shalt  }
0x73: {  	_ =	shalt  }
0x74: {  	_ =	shalt  }
0x75: {  	_ =	shalt  }
0x76: {  	_ =	shalt  }
0x77: {  	_ =	shalt  }
0x78: {  	_ =	shalt  }
0x79: {  	_ =	shalt  }
0x7a: {  	_ =	shalt  }
0x7b: {  	_ =	shalt  }
0x7c: {  	_ =	shalt  }
0x7d: {  	_ =	shalt  }
0x7e: {  	_ =	shalt  }
0x7f: {  	_ =	shalt  }
0x80: {  	_ =	shalt  }
0x81: {  	_ =	shalt  }
0x82: {  	_ =	shalt  }
0x83: {  	_ =	shalt  }
0x84: {  	_ =	shalt  }
0x85: {  	_ =	shalt  }
0x86: {  	_ =	shalt  }
0x87: {  	_ =	shalt  }
.Lfunc_end0:
.L_simem_size_0:
called_computation_lowered:
.L_overlay_start_0:
0x88: {  	s2 =	sld [smem:$0x3FD9]  }
0x89: {  	s3 =	sld [smem:$0x3FFE];
	_ =	sdelay $0x1  }
0x8a: {  	s1 =	srdreg.scid  }
0x8b: {  	s0 =	sand.u32 $0x1, s1  }
0x8c: {  	s16 =	sshll.u32 s0, $0xA;
	s2 =	sadd.s32 s3, s2  }
0x8d: {  	s2 =	sadd.s32 s2, s16  }
0x8e: {  	[smem:$0x3FC0] =	sst s2  }
0x8f: {  	_ = 	snop  }
0x90: {  	(tm) =	ssettm $0x1  }
0x91: {  	s17 =	sld [smem:$0x3FFB];
	_ =	sdelay $0x3  }
0x92: {  	_ =	strace s17  }
0x93: {  	s2 =	sld [smem:$0x3FFC];
	_ =	sdelay $0x3  }
0x94: {  	_ =	strace s2  }
0x95: {  	s2 =	sld [smem:$0x3FFD];
	_ =	sdelay $0x3  }
0x96: {  	_ =	strace s2  }
0x97: {  	_ =	strace $0x8FFFFFFF  }
0x98: {  	s18 =	sld [smem:$0x3FDB];
	_ =	sdelay $0x1  }
0x99: {  	s19 =	simm.s32 $_scs_section_size  }
0x9a: {  	s4 =	simm.s32 $_size__tile_overlayer_lowered;
	s5 =	simm.s32 $_tile_overlayer_lowered  }
0x9b: {  	s22 =	simm.s32 $0x1BFF;
	s21 =	sshll.u32 s5, $0x1;
	s2 =	sadd.s32 s19, s18  }
0x9c: {  	s6 =	simm.s32 $0x0;
	s20 =	sshll.u32 s4, $0x1;
	s4 =	sadd.s32 s21, s2  }
0x9d: {  	[timem:s6], [sflag:s22] =	dma.local [hbm:s4], s20  }
0x9e: {  	_ =	swait.ge [sflag:s22], s20  }
0x9f: {  	s3 =	ssub.s32 $0x0, s20;
	[sflag:s22] =	ssyncset.done $0x0  }
0xa0: {  	[sflag:s22] =	ssyncadd.s32 s3;
	_ =	sdelay $0x1  }
0xa1: {  	s23 =	simm.s32 $0x1B8B  }
0xa2: {  	_ =	swait.ge [sflag:s23], $0x1  }
0xa3: {  	[sflag:s23] =	ssyncset.done $0x0  }
0xa4: {  	s25 =	simm.s32 $0x1B8E;
	s24 =	sld [smem:$0x3FFE];
	[sflag:s23] =	ssyncadd.s32 $0xFFFFFFFF  }
0xa5: {  	s26 =	simm.s32 $execute0_lowered;
	[smem:$0x3FD2] =	sst s25  }
0xa6: {  	s4 =	sshll.u32 s26, $0x1;
	_ =	strace $0x80000046;
	[dreg:$0x1] =	wrdreg $0xFFFFFFFF  }
0xa7: {  	s28 =	simm.s32 $_size_execute0_lowered;
	s2 =	sadd.s32 s2, s4;
	[dreg:$0x0] =	wrdreg $0x0  }
0xa8: {  	s4 =	sshll.u32 s28, $0x1;
	[dreg:$0x2] =	wrdreg s2  }
0xa9: {  	[dreg:$0x3] =	wrdreg s4  }
0xaa: {  	[dreg:$0x4] =	wrdreg $0xC0  }
0xab: {  	_ =	task [dreg:s6], $0x5FFFF  }
0xac: {  	[dreg:$0x1] =	wrdreg $0xFFFFFFFF  }
0xad: {  	[dreg:$0x0] =	wrdreg $0x60  }
0xae: {  	[dreg:$0x2] =	wrdreg s24  }
0xaf: {  	[dreg:$0x3] =	wrdreg $0x40100  }
0xb0: {  	[dreg:$0x4] =	wrdreg $0x9  }
0xb1: {  	_ =	task.clear_ibuf [dreg:s6], $0x5FFFF;
	_ =	strace $0x90000046  }
0xb2: {  	s29 =	simm.s32 $0x9;
	_ =	strace $0x80000048  }
0xb3: {  	_ =	swait.ge [sflag:s29], $0x1  }
0xb4: {  	[sflag:s29] =	ssyncadd.s32 $0xFFFFFFFF  }
0xb5: {  	_ =	strace $0x90000048  }
0xb6: {  	_ =	sfence  }
0xb7: {  	s30 =	sld [smem:$0x0];
	_ =	sdelay $0x2  }
0xb8: {  	s31 =	sshll.u32 s1, $0xD;
	s1 =	sshrl.u32 s1, $0x2  }
0xb9: {  	s3 =	sand.u32 $0x4000, s31;
	s1 =	sadd.s32 s1, s30  }
0xba: {  	s0 =	sor.u32 s3, s0;
	s1 =	sshll.u32 s1, $0x11  }
0xbb: {  	s0 =	sor.u32 s1, s0  }
0xbc: {  	s0 =	sadd.s32 $0x8F2B, s0  }
0xbd: {  	[sflag:s0] =	ssyncadd.remote.s32 $0x1  }
0xbe: {  	_ =	sfence.sel $0xFFFF  }
0xbf: {  	[dreg:$0x0] =	wrdreg $0xFFFFFFFF;
	(pc) =	sbr.abs _section_cstart, $3  }
0xc0: {  	[dreg:$0x1] =	wrdreg $0xFFFFFFFF  }
0xc1: {  	_ =	task.clear_ibuf [dreg:s6], $0x2FFFF;
	_ =	strace $0x9FFFFFFF  }
0xc2: {  	(tm) =	ssettm $0x7FFFFFFF  }
0xc3: {  	_ =	shalt  }
tec
execute0_lowered:
.L_overlay_start_1:
0x0: {  	(tag) =	ssettag $0x1  }
0x1: {  	s5 =	rddreg [dreg:$0x0]  }
0x2: {  	s0 =	srdreg.scid;
	s2 =	rddreg [dreg:$0x1]  }
0x3: {  	s3 =	simm.s32 $0x0;
	s4 =	sand.u32 $0x1, s0;
	s0 =	stileid.u32  }
0x4: {  	s13 =	simm.s32 $0x190;
	s14 =	simm.s32 $0x0;
	s7 =	smul.u32 $0x2780, s0  }
0x5: {  	[smem:$0x7FF] =	sst s3;
	s1 =	sshll.u32 s4, $0x4;
	s8 =	smul.u32 $0x27800, s4  }
0x6: {  	s10 =	ssub.s32 $0x2, s4;
	s4 =	sadd.s32 $0x16000, s5;
	s1 =	sor.u32 s0, s1  }
0x7: {  	s31 =	sshll.u32 s0, $0x6;
	s11 =	sshrl.u32 s10, $0x1;
	s6 =	smul.u32 $0x4E2, s1  }
0x8: {  	s1 =	rddreg [dreg:$0x2];
	_ =	strace $0x80000047;
	s9 =	sshrl.u32 s7, $0x3  }
0x9: {  	s8 =	sadd.s32 s7, s8;
	s10 =	ssub.s32 s10, s11;
	s12 =	sadd.s32 s7, s2  }
0xa: {  	s11 =	sor.u32 $0x1C01, s31;
	s9 =	sadd.s32 s9, s5;
	s8 =	sshrl.u32 s8, $0x3  }
0xb: {  	s12 =	sshrl.u32 s12, $0x3;
	s6 =	sadd.s32 s6, s5;
	s8 =	sadd.s32 s8, s5  }
0xc: {  	s5 =	sadd.s32 $0x2400, s6;
	s6 =	sadd.s32 $0x16400, s9;
	s7 =	sadd.s32 $0x1B400, s8  }
0xd: {  	s8 =	smax.u32 s10, $0x1;
	s9 =	simm.s32 $0x1;
	s10 =	simm.s32 $0x2710  }
.LBB2_1:
0xe: {  	[tilespmem:s3], [sflag:$0x1] =	stream.linear.gather [hbm4b:s5+s3], $0x2710, $0x38;
	[tilespmem:$0x6790] =	vst v63  }
0xf: {  	_ =	swait.ge [sflag:s9], $0x2710  }
0x10: {  	[sflag:s9] =	ssyncset.done $0x0  }
0x11: {  	[sflag:s9] =	ssyncadd.s32 $0xFFFFD8F0  }
0x12: {  	[tilespmem:s10], [sflag:$0x1] =	stream.linear.gather [hbm4b:s4+s3], $0x1900, $0x38;
	[tilespmem:$0x6790] =	vst v63  }
0x13: {  	_ =	swait.ge [sflag:s9], $0x1900  }
0x14: {  	[sflag:s9] =	ssyncset.done $0x0  }
0x15: {  	[sflag:s9] =	ssyncadd.s32 $0xFFFFE700  }
0x16: {  	[spmem:s12], [sflag:s11] =	dma.local [hbm:s6], $0x4F0  }
0x17: {  	_ =	swait.ge [sflag:s9], $0x4F0  }
0x18: {  	[sflag:s9] =	ssyncset.done $0x0  }
0x19: {  	[sflag:s9] =	ssyncadd.s32 $0xFFFFFB10  }
0x1a: {  	s15 =	simm.s32 $0x0;
	[bflag:$0x0] =	sbarrier.arrive $0xFFFF  }
0x1b: {  	[spmem:s2] =	stream.indirect.scatter.add.f32 [tilespmem:s10], [sflag:$0x1], $0x10, s15, s13, $0xb8;
	[tilespmem:$0x6790] =	vst v63  }
0x1c: {  	_ =	swait.ge [sflag:s9], $0x1900  }
0x1d: {  	s15 =	simm.s32 $0x640;
	[sflag:s9] =	ssyncset.done $0x0  }
.LBB2_2:
0x1e: {  	s16 =	sshra.s32 s15, $0x2;
	[sflag:s9] =	ssyncadd.s32 $0xFFFFE700;
	p0 =	sne.s32 s15, $0x9600  }
0x1f: {  	[spmem:s2] =	stream.indirect.scatter.add.f32 [tilespmem:s10], [sflag:$0x1], $0x10, s16, s13, $0xb8;
	[tilespmem:$0x6790] =	vst v63  }
.Ltmp0:
0x20: {  	_ = 	snop;
	(pc) =	sbr.rel @p0 .LBB2_2-.Ltmp0, $4  }
0x21: {  	_ = 	snop  }
0x22: {  	s15 =	sadd.s32 $0x640, s15  }
0x23: {  	_ =	swait.ge [sflag:s9], $0x1900  }
0x24: {  	[sflag:s9] =	ssyncset.done $0x0  }
0x25: {  	s14 =	sadd.s32 $0x1, s14  }
0x26: {  	[sflag:s9] =	ssyncadd.s32 $0xFFFFE700;
	p0 =	sne.s32 s14, s8  }
.Ltmp1:
0x27: {  	[bflag:$0x0] =	sbarrier.arrive $0xFFFF;
	(pc) =	sbr.rel @p0 .LBB2_1-.Ltmp1, $4  }
0x28: {  	[hbm:s7], [sflag:s11] =	dma.local [spmem:s12], $0x4F0  }
0x29: {  	_ =	swait.ge [sflag:s9], $0x4F0  }
0x2a: {  	[sflag:s9] =	ssyncset.done $0x0  }
0x2b: {  	[sflag:s9] =	ssyncadd.s32 $0xFFFFFB10  }
0x2c: {  	_ =	sfence.sel $0x180000  }
0x2d: {  	[bflag:$0x0] =	sbarrier.arrive $0xFFFF  }
0x2e: {  	p0 =	sne.s32 s0, $0x0;
	_ =	strace $0x90000047  }
0x2f: {  	s0 =	sadd.s32 @!p0 $0x100000, s1;
	[bflag:$0x2] =	sbarrier.arrive $0xFFFF  }
0x30: {  	[sflag:s0] =	ssyncadd.tile.s32 @!p0 $0x1;
	_ =	shalt  }
.Lfunc_end2:
_tile_overlayer_lowered:
.L_overlay_start_2:
0x31: {  	(tag) =	ssettag $0x2  }
0x32: {  	s0 =	rddreg [dreg:$0x0];
	s2 =	stileid.u32  }
0x33: {  	s1 =	rddreg [dreg:$0x1];
	p0 =	sne.s32 s2, $0x0  }
0x34: {  	s3 =	rddreg [dreg:$0x2];
	[bflag:$0x3] =	sbarrier.arrive $0xFFFF;
	s2 =	simm.s32 @!p0 $0x1C01  }
0x35: {  	[timem:s3], [sflag:s2] =	dma.local @!p0 [hbm:s0], s1  }
0x36: {  	s0 =	simm.s32 @!p0 $0x1  }
0x37: {  	_ =	swait.ge @!p0 [sflag:s0], s1  }
0x38: {  	s1 =	ssub.s32 @!p0 $0x0, s1;
	[sflag:s0] =	ssyncset.done @!p0 $0x0  }
0x39: {  	[sflag:s0] =	ssyncadd.s32 @!p0 s1  }
0x3a: {  	[bflag:$0x3] =	sbarrier.arrive $0xFFFF  }
0x3b: {  	_ =	shalt  }

</sc_bundles>
